<compile_context>
chip_gen: v7x
topology: tpu7x:2x2x1
jax: 0.10.2.dev20260603
libtpu: 0.0.44.dev20260713+nightly
codegen_flags: <defaults>
</compile_context>

<pallas_src>
import functools

import jax
import jax.numpy as jnp
from jax import lax
from jax.experimental import pallas as pl
from jax.experimental.pallas import tpu as pltpu
from jax.experimental.pallas import tpu_sc as plsc

_MIN = -3.0
_MAX = 3.0
_NBINS = 1024
_N = 16777216

_NC, _NS, _L = 2, 16, 16
_NW = _NC * _NS
_PER_W = _N // _NW
_CHUNK = 16384
_NCHUNK = _PER_W // _CHUNK
_NPAIR = _NCHUNK // 2

_INV_RANGE = 1.0 / (_MAX - _MIN)


def _body(x_hbm, theta_hbm, out_hbm, theta_v, xin_v, yout_v,
          sem_in0, sem_in1, sem_out0, sem_out1):
    wid = lax.axis_index("s") * _NC + lax.axis_index("c")
    base = wid * _PER_W

    def in_copy(chunk, slot, sem):
        return pltpu.make_async_copy(
            x_hbm.at[pl.ds(base + chunk * _CHUNK, _CHUNK)], xin_v.at[slot], sem)

    def out_copy(chunk, slot, sem):
        return pltpu.make_async_copy(
            yout_v.at[slot], out_hbm.at[pl.ds(base + chunk * _CHUNK, _CHUNK)],
            sem)

    def compute(slot):
        @plsc.parallel_loop(0, _CHUNK // _L, unroll=8)
        def _(i):
            xv = xin_v[slot, pl.ds(i * _L, _L)]
            t = (xv - _MIN) * (_INV_RANGE * float(_NBINS))
            t = jnp.minimum(jnp.maximum(t, 0.0), float(_NBINS - 1))
            idx = t.astype(jnp.int32)
            yout_v[slot, pl.ds(i * _L, _L)] = plsc.load_gather(theta_v, [idx])

    in_copy(0, 0, sem_in0).start()
    in_copy(1, 1, sem_in1).start()
    pltpu.sync_copy(theta_hbm, theta_v)

    def pair_body(p, carry):
        c0 = 2 * p
        in_copy(c0, 0, sem_in0).wait()
        pl.when(p >= 1)(lambda: out_copy(c0 - 2, 0, sem_out0).wait())
        compute(0)
        out_copy(c0, 0, sem_out0).start()
        pl.when(p < _NPAIR - 1)(lambda: in_copy(c0 + 2, 0, sem_in0).start())
        in_copy(c0 + 1, 1, sem_in1).wait()
        pl.when(p >= 1)(lambda: out_copy(c0 - 1, 1, sem_out1).wait())
        compute(1)
        out_copy(c0 + 1, 1, sem_out1).start()
        pl.when(p < _NPAIR - 1)(lambda: in_copy(c0 + 3, 1, sem_in1).start())
        return carry

    lax.fori_loop(0, _NPAIR, pair_body, 0)
    out_copy(_NCHUNK - 2, 0, sem_out0).wait()
    out_copy(_NCHUNK - 1, 1, sem_out1).wait()


def kernel(x, theta):
    mesh = plsc.VectorSubcoreMesh(core_axis_name="c", subcore_axis_name="s")
    f = functools.partial(
        pl.kernel,
        mesh=mesh,
        out_type=jax.ShapeDtypeStruct((_N,), jnp.float32),
        scratch_types=[
            pltpu.VMEM((_NBINS,), jnp.float32),
            pltpu.VMEM((2, _CHUNK), jnp.float32),
            pltpu.VMEM((2, _CHUNK), jnp.float32),
            pltpu.SemaphoreType.DMA,
            pltpu.SemaphoreType.DMA,
            pltpu.SemaphoreType.DMA,
            pltpu.SemaphoreType.DMA,
        ],
        compiler_params=pltpu.CompilerParams(needs_layout_passes=False, use_tc_tiling_on_sc=False, disable_bounds_checks=True, disable_semaphore_checks=True, skip_device_barrier=True),
    )(_body)
    return f(x, theta)

# --- scband reference (transcript-rebuilt; emitter-appended) ---
"""Pipeline reference for scband-piecewise-uniform-7112465842415 (READ-ONLY COPY).

The authoritative reference and input builder live on the scoring server;
editing this copy changes nothing except your own understanding.
"""

import jax, jax.numpy as jnp
import numpy as np

MIN_ = -3.0
MAX_ = 3.0
N_BINS = 1024
N = 16777216

def setup_inputs(seed: int = 0) -> dict:
    key = jax.random.key(seed)
    k1, k2 = jax.random.split(key)
    x = jax.random.normal(k1, (N,), dtype=jnp.float32)
    theta = jax.random.normal(k2, (N_BINS,), dtype=jnp.float32) * 0.02
    return {"x": x, "theta": theta}

def reference(x, theta):
    # x = x - min_; x = x / (max_ - min_); x = x * n_bins
    xn = (x - MIN_) / (MAX_ - MIN_)
    xn = xn * N_BINS
    # torch.clamp(x, min=0, max=n_bins-1).long(): clamp then truncate (values >= 0 so trunc == floor)
    xn = jnp.clip(xn, 0.0, float(N_BINS - 1))
    idx = xn.astype(jnp.int32)
    # theta[x.flatten()].view(*x.shape) -> gather from theta
    out = jnp.take(theta, idx.reshape(-1), axis=0).reshape(x.shape)
    return out

if __name__ == "__main__":
    import jax
    _d = setup_inputs()
    print(jax.jit(kernel)(*tuple(_d.values())))

</pallas_src>

<mosaic_0001>
#map = affine_map<(d0, d1) -> (0)>
module attributes {stable_mosaic.version = 14 : i64} {
  func.func @_body(%arg0: i32, %arg1: i32, %arg2: memref<16777216xf32, #tpu.memory_space<hbm>>, %arg3: memref<1024xf32, #tpu.memory_space<hbm>>, %arg4: memref<16777216xf32, #tpu.memory_space<hbm>>, %arg5: memref<1024xf32, #tpu.memory_space<vmem>>, %arg6: memref<2x16384xf32, #tpu.memory_space<vmem>>, %arg7: memref<2x16384xf32, #tpu.memory_space<vmem>>, %arg8: memref<!tpu.dma_semaphore, #tpu.memory_space<semaphore_mem>>, %arg9: memref<!tpu.dma_semaphore, #tpu.memory_space<semaphore_mem>>, %arg10: memref<!tpu.dma_semaphore, #tpu.memory_space<semaphore_mem>>, %arg11: memref<!tpu.dma_semaphore, #tpu.memory_space<semaphore_mem>>) attributes {dimension_semantics = [#tpu.dimension_semantics<core_parallel>, #tpu.dimension_semantics<subcore_parallel>], iteration_bounds = array<i64: 2, 16>, scalar_prefetch = 0 : i64, scratch_operands = 7 : i64, tpu.core_type = #tpu.core_type<sc_vector_subcore>, window_params = [{transform_indices = #map}, {transform_indices = #map}, {transform_indices = #map}]} {
    %mul3A = arith.constant 2 : i32
    %mul3A_0 = arith.muli %arg1, %mul3A : i32
    %add3A = arith.addi %mul3A_0, %arg0 : i32
    %mul3A_1 = arith.constant 524288 : i32
    %mul3A_2 = arith.muli %add3A, %mul3A_1 : i32
    %add3A_3 = arith.constant 0 : i32
    %add3A_4 = arith.addi %mul3A_2, %add3A_3 : i32
    %dma_start3A = arith.constant 0 : i32
    %dma_start3A_5 = arith.constant 0 : i32
    %dma_start3A_6 = tpu.memref_slice %arg6[%dma_start3A, %dma_start3A_5] : memref<2x16384xf32, #tpu.memory_space<vmem>> -> memref<1x16384xf32, #tpu.memory_space<vmem>>
    %dma_start3A_7 = tpu.memref_squeeze %dma_start3A_6 : memref<1x16384xf32, #tpu.memory_space<vmem>> -> memref<16384xf32, #tpu.memory_space<vmem>>
    %dma_start3A_8 = tpu.memref_slice %arg2[%add3A_4] : memref<16777216xf32, #tpu.memory_space<hbm>> -> memref<16384xf32, #tpu.memory_space<hbm>>
    %dma_start3A_9 = arith.constant 0 : i32
    %dma_start3A_10 = tpu.memref_slice %arg6[%dma_start3A, %dma_start3A_9] : memref<2x16384xf32, #tpu.memory_space<vmem>> -> memref<1x16384xf32, #tpu.memory_space<vmem>>
    %dma_start3A_11 = tpu.memref_squeeze %dma_start3A_10 : memref<1x16384xf32, #tpu.memory_space<vmem>> -> memref<16384xf32, #tpu.memory_space<vmem>>
    %dma_start3A_12 = tpu.memref_slice %arg2[%add3A_4] : memref<16777216xf32, #tpu.memory_space<hbm>> -> memref<16384xf32, #tpu.memory_space<hbm>>
    tpu.enqueue_dma source(%dma_start3A_12 : memref<16384xf32, #tpu.memory_space<hbm>>) target(%dma_start3A_11 : memref<16384xf32, #tpu.memory_space<vmem>>) target_semaphore(%arg8 : memref<!tpu.dma_semaphore, #tpu.memory_space<semaphore_mem>>)
    %add3A_13 = arith.constant 16384 : i32
    %add3A_14 = arith.addi %mul3A_2, %add3A_13 : i32
    %dma_start3A_15 = arith.constant 1 : i32
    %dma_start3A_16 = arith.constant 0 : i32
    %dma_start3A_17 = tpu.memref_slice %arg6[%dma_start3A_15, %dma_start3A_16] : memref<2x16384xf32, #tpu.memory_space<vmem>> -> memref<1x16384xf32, #tpu.memory_space<vmem>>
    %dma_start3A_18 = tpu.memref_squeeze %dma_start3A_17 : memref<1x16384xf32, #tpu.memory_space<vmem>> -> memref<16384xf32, #tpu.memory_space<vmem>>
    %dma_start3A_19 = tpu.memref_slice %arg2[%add3A_14] : memref<16777216xf32, #tpu.memory_space<hbm>> -> memref<16384xf32, #tpu.memory_space<hbm>>
    %dma_start3A_20 = arith.constant 0 : i32
    %dma_start3A_21 = tpu.memref_slice %arg6[%dma_start3A_15, %dma_start3A_20] : memref<2x16384xf32, #tpu.memory_space<vmem>> -> memref<1x16384xf32, #tpu.memory_space<vmem>>
    %dma_start3A_22 = tpu.memref_squeeze %dma_start3A_21 : memref<1x16384xf32, #tpu.memory_space<vmem>> -> memref<16384xf32, #tpu.memory_space<vmem>>
    %dma_start3A_23 = tpu.memref_slice %arg2[%add3A_14] : memref<16777216xf32, #tpu.memory_space<hbm>> -> memref<16384xf32, #tpu.memory_space<hbm>>
    tpu.enqueue_dma source(%dma_start3A_23 : memref<16384xf32, #tpu.memory_space<hbm>>) target(%dma_start3A_22 : memref<16384xf32, #tpu.memory_space<vmem>>) target_semaphore(%arg9 : memref<!tpu.dma_semaphore, #tpu.memory_space<semaphore_mem>>)
    "tpu.region"() ({
      %run_scoped3A = tpu.sem_alloc : memref<!tpu.dma_semaphore, #tpu.memory_space<semaphore_mem>>
      tpu.enqueue_dma source(%arg3 : memref<1024xf32, #tpu.memory_space<hbm>>) target(%arg5 : memref<1024xf32, #tpu.memory_space<vmem>>) target_semaphore(%run_scoped3A : memref<!tpu.dma_semaphore, #tpu.memory_space<semaphore_mem>>)
      tpu.wait_dma2 semaphore(%run_scoped3A : memref<!tpu.dma_semaphore, #tpu.memory_space<semaphore_mem>>) src(%arg3 : memref<1024xf32, #tpu.memory_space<hbm>>) dst(%arg5 : memref<1024xf32, #tpu.memory_space<vmem>>)
      tpu.yield
    }) : () -> ()
    %scan3A = arith.constant 0 : i32
    %scan3A_24 = arith.constant 0 : i32
    %scan3A_25 = arith.constant 16 : i32
    %scan3A_26 = arith.addi %scan3A_24, %scan3A_25 : i32
    %scan3A_27 = arith.constant 1 : i32
    scf.for %scan3A_50 = %scan3A_24 to %scan3A_26 step %scan3A_27  : i32 {
      %mul3A_51 = arith.constant 2 : i32
      %mul3A_52 = arith.muli %mul3A_51, %scan3A_50 : i32
      %mul3A_53 = arith.constant 16384 : i32
      %mul3A_54 = arith.muli %mul3A_52, %mul3A_53 : i32
      %add3A_55 = arith.addi %mul3A_2, %mul3A_54 : i32
      %dma_wait3A_56 = arith.constant 0 : i32
      %dma_wait3A_57 = arith.constant 0 : i32
      %dma_wait3A_58 = tpu.memref_slice %arg6[%dma_wait3A_56, %dma_wait3A_57] : memref<2x16384xf32, #tpu.memory_space<vmem>> -> memref<1x16384xf32, #tpu.memory_space<vmem>>
      %dma_wait3A_59 = tpu.memref_squeeze %dma_wait3A_58 : memref<1x16384xf32, #tpu.memory_space<vmem>> -> memref<16384xf32, #tpu.memory_space<vmem>>
      %dma_wait3A_60 = tpu.memref_slice %arg2[%add3A_55] : memref<16777216xf32, #tpu.memory_space<hbm>> -> memref<16384xf32, #tpu.memory_space<hbm>>
      %dma_wait3A_61 = arith.constant 0 : i32
      %dma_wait3A_62 = tpu.memref_slice %arg6[%dma_wait3A_56, %dma_wait3A_61] : memref<2x16384xf32, #tpu.memory_space<vmem>> -> memref<1x16384xf32, #tpu.memory_space<vmem>>
      %dma_wait3A_63 = tpu.memref_squeeze %dma_wait3A_62 : memref<1x16384xf32, #tpu.memory_space<vmem>> -> memref<16384xf32, #tpu.memory_space<vmem>>
      %dma_wait3A_64 = tpu.memref_slice %arg2[%add3A_55] : memref<16777216xf32, #tpu.memory_space<hbm>> -> memref<16384xf32, #tpu.memory_space<hbm>>
      tpu.wait_dma2 semaphore(%arg8 : memref<!tpu.dma_semaphore, #tpu.memory_space<semaphore_mem>>) src(%dma_wait3A_64 : memref<16384xf32, #tpu.memory_space<hbm>>) dst(%dma_wait3A_63 : memref<16384xf32, #tpu.memory_space<vmem>>)
      %ge3A = arith.constant 1 : i32
      %ge3A_65 = arith.cmpi sge, %scan3A_50, %ge3A : i32
      %convert_element_type3A = arith.extui %ge3A_65 : i1 to i32
      %cond3A = arith.constant 0 : i32
      %cond3A_66 = arith.cmpi ne, %convert_element_type3A, %cond3A : i32
      scf.if %cond3A_66 {
        %sub3A = arith.constant 2 : i32
        %sub3A_126 = arith.subi %mul3A_52, %sub3A : i32
        %mul3A_127 = arith.constant 16384 : i32
        %mul3A_128 = arith.muli %sub3A_126, %mul3A_127 : i32
        %add3A_129 = arith.addi %mul3A_2, %mul3A_128 : i32
        %dma_wait3A_130 = arith.constant 0 : i32
        %dma_wait3A_131 = arith.constant 0 : i32
        %dma_wait3A_132 = tpu.memref_slice %arg7[%dma_wait3A_130, %dma_wait3A_131] : memref<2x16384xf32, #tpu.memory_space<vmem>> -> memref<1x16384xf32, #tpu.memory_space<vmem>>
        %dma_wait3A_133 = tpu.memref_squeeze %dma_wait3A_132 : memref<1x16384xf32, #tpu.memory_space<vmem>> -> memref<16384xf32, #tpu.memory_space<vmem>>
        %dma_wait3A_134 = tpu.memref_slice %arg4[%add3A_129] : memref<16777216xf32, #tpu.memory_space<hbm>> -> memref<16384xf32, #tpu.memory_space<hbm>>
        %dma_wait3A_135 = tpu.memref_slice %arg4[%add3A_129] : memref<16777216xf32, #tpu.memory_space<hbm>> -> memref<16384xf32, #tpu.memory_space<hbm>>
        %dma_wait3A_136 = arith.constant 0 : i32
        %dma_wait3A_137 = tpu.memref_slice %arg7[%dma_wait3A_130, %dma_wait3A_136] : memref<2x16384xf32, #tpu.memory_space<vmem>> -> memref<1x16384xf32, #tpu.memory_space<vmem>>
        %dma_wait3A_138 = tpu.memref_squeeze %dma_wait3A_137 : memref<1x16384xf32, #tpu.memory_space<vmem>> -> memref<16384xf32, #tpu.memory_space<vmem>>
        tpu.wait_dma2 semaphore(%arg10 : memref<!tpu.dma_semaphore, #tpu.memory_space<semaphore_mem>>) src(%dma_wait3A_138 : memref<16384xf32, #tpu.memory_space<vmem>>) dst(%dma_wait3A_135 : memref<16384xf32, #tpu.memory_space<hbm>>)
      } else {
      }
      %parallel_loop3A = arith.constant 0 : i32
      %parallel_loop3A_67 = arith.constant 1024 : i32
      %parallel_loop3A_68 = arith.constant 1 : i32
      scf.for %parallel_loop3A_126 = %parallel_loop3A to %parallel_loop3A_67 step %parallel_loop3A_68  : i32 {
        %parallel_loop3A_127 = arith.constant 16 : i32
        %parallel_loop3A_128 = arith.muli %parallel_loop3A_126, %parallel_loop3A_127 : i32
        %parallel_loop3A_129 = arith.constant 0 : i32
        %parallel_loop3A_130 = arith.index_cast %parallel_loop3A_129 : i32 to index
        %parallel_loop3A_131 = arith.index_cast %parallel_loop3A_128 : i32 to index
        %parallel_loop3A_132 = tpu.vector_load %arg6[%parallel_loop3A_130, %parallel_loop3A_131] {strides = array<i32>} : memref<2x16384xf32, #tpu.memory_space<vmem>>, vector<16xf32>,
        %parallel_loop3A_133 = arith.constant -3.000000e+00 : f32
        %parallel_loop3A_134 = vector.broadcast %parallel_loop3A_133 : f32 to vector<16xf32>
        %parallel_loop3A_135 = arith.subf %parallel_loop3A_132, %parallel_loop3A_134 : vector<16xf32>
        %parallel_loop3A_136 = arith.constant 170.666672 : f32
        %parallel_loop3A_137 = vector.broadcast %parallel_loop3A_136 : f32 to vector<16xf32>
        %parallel_loop3A_138 = arith.mulf %parallel_loop3A_135, %parallel_loop3A_137 : vector<16xf32>
        %parallel_loop3A_139 = arith.constant 0.000000e+00 : f32
        %parallel_loop3A_140 = vector.broadcast %parallel_loop3A_139 : f32 to vector<16xf32>
        %parallel_loop3A_141 = arith.maximumf %parallel_loop3A_138, %parallel_loop3A_140 : vector<16xf32>
        %parallel_loop3A_142 = arith.constant 1.023000e+03 : f32
        %parallel_loop3A_143 = vector.broadcast %parallel_loop3A_142 : f32 to vector<16xf32>
        %parallel_loop3A_144 = arith.minimumf %parallel_loop3A_141, %parallel_loop3A_143 : vector<16xf32>
        %parallel_loop3A_145 = arith.fptosi %parallel_loop3A_144 : vector<16xf32> to vector<16xi32>
        %parallel_loop3A_146 = tpu.vector_load_idx %arg5[%parallel_loop3A_145] : memref<1024xf32, #tpu.memory_space<vmem>>[vector<16xi32>], vector<16xf32>,
        %parallel_loop3A_147 = arith.constant 16 : i32
        %parallel_loop3A_148 = arith.muli %parallel_loop3A_126, %parallel_loop3A_147 : i32
        %parallel_loop3A_149 = arith.constant 0 : i32
        %parallel_loop3A_150 = arith.index_cast %parallel_loop3A_149 : i32 to index
        %parallel_loop3A_151 = arith.index_cast %parallel_loop3A_148 : i32 to index
        %parallel_loop3A_152 = tpu.vector_load %arg7[%parallel_loop3A_150, %parallel_loop3A_151] {strides = array<i32>} : memref<2x16384xf32, #tpu.memory_space<vmem>>, vector<16xf32>,
        tpu.vector_store %arg7[%parallel_loop3A_150, %parallel_loop3A_151], %parallel_loop3A_146 {strides = array<i32>} : memref<2x16384xf32, #tpu.memory_space<vmem>>, vector<16xf32>,
      } {sc.loop_unroll_factor = 8 : i64, sc.parallel_access}
      %mul3A_69 = arith.constant 16384 : i32
      %mul3A_70 = arith.muli %mul3A_52, %mul3A_69 : i32
      %add3A_71 = arith.addi %mul3A_2, %mul3A_70 : i32
      %dma_start3A_72 = arith.constant 0 : i32
      %dma_start3A_73 = arith.constant 0 : i32
      %dma_start3A_74 = tpu.memref_slice %arg7[%dma_start3A_72, %dma_start3A_73] : memref<2x16384xf32, #tpu.memory_space<vmem>> -> memref<1x16384xf32, #tpu.memory_space<vmem>>
      %dma_start3A_75 = tpu.memref_squeeze %dma_start3A_74 : memref<1x16384xf32, #tpu.memory_space<vmem>> -> memref<16384xf32, #tpu.memory_space<vmem>>
      %dma_start3A_76 = tpu.memref_slice %arg4[%add3A_71] : memref<16777216xf32, #tpu.memory_space<hbm>> -> memref<16384xf32, #tpu.memory_space<hbm>>
      %dma_start3A_77 = tpu.memref_slice %arg4[%add3A_71] : memref<16777216xf32, #tpu.memory_space<hbm>> -> memref<16384xf32, #tpu.memory_space<hbm>>
      %dma_start3A_78 = arith.constant 0 : i32
      %dma_start3A_79 = tpu.memref_slice %arg7[%dma_start3A_72, %dma_start3A_78] : memref<2x16384xf32, #tpu.memory_space<vmem>> -> memref<1x16384xf32, #tpu.memory_space<vmem>>
      %dma_start3A_80 = tpu.memref_squeeze %dma_start3A_79 : memref<1x16384xf32, #tpu.memory_space<vmem>> -> memref<16384xf32, #tpu.memory_space<vmem>>
      tpu.enqueue_dma source(%dma_start3A_80 : memref<16384xf32, #tpu.memory_space<vmem>>) target(%dma_start3A_77 : memref<16384xf32, #tpu.memory_space<hbm>>) target_semaphore(%arg10 : memref<!tpu.dma_semaphore, #tpu.memory_space<semaphore_mem>>)
      %lt3A = arith.constant 15 : i32
      %lt3A_81 = arith.cmpi slt, %scan3A_50, %lt3A : i32
      %convert_element_type3A_82 = arith.extui %lt3A_81 : i1 to i32
      %cond3A_83 = arith.constant 0 : i32
      %cond3A_84 = arith.cmpi ne, %convert_element_type3A_82, %cond3A_83 : i32
      scf.if %cond3A_84 {
        %add3A_126 = arith.constant 2 : i32
        %add3A_127 = arith.addi %mul3A_52, %add3A_126 : i32
        %mul3A_128 = arith.constant 16384 : i32
        %mul3A_129 = arith.muli %add3A_127, %mul3A_128 : i32
        %add3A_130 = arith.addi %mul3A_2, %mul3A_129 : i32
        %dma_start3A_131 = arith.constant 0 : i32
        %dma_start3A_132 = arith.constant 0 : i32
        %dma_start3A_133 = tpu.memref_slice %arg6[%dma_start3A_131, %dma_start3A_132] : memref<2x16384xf32, #tpu.memory_space<vmem>> -> memref<1x16384xf32, #tpu.memory_space<vmem>>
        %dma_start3A_134 = tpu.memref_squeeze %dma_start3A_133 : memref<1x16384xf32, #tpu.memory_space<vmem>> -> memref<16384xf32, #tpu.memory_space<vmem>>
        %dma_start3A_135 = tpu.memref_slice %arg2[%add3A_130] : memref<16777216xf32, #tpu.memory_space<hbm>> -> memref<16384xf32, #tpu.memory_space<hbm>>
        %dma_start3A_136 = arith.constant 0 : i32
        %dma_start3A_137 = tpu.memref_slice %arg6[%dma_start3A_131, %dma_start3A_136] : memref<2x16384xf32, #tpu.memory_space<vmem>> -> memref<1x16384xf32, #tpu.memory_space<vmem>>
        %dma_start3A_138 = tpu.memref_squeeze %dma_start3A_137 : memref<1x16384xf32, #tpu.memory_space<vmem>> -> memref<16384xf32, #tpu.memory_space<vmem>>
        %dma_start3A_139 = tpu.memref_slice %arg2[%add3A_130] : memref<16777216xf32, #tpu.memory_space<hbm>> -> memref<16384xf32, #tpu.memory_space<hbm>>
        tpu.enqueue_dma source(%dma_start3A_139 : memref<16384xf32, #tpu.memory_space<hbm>>) target(%dma_start3A_138 : memref<16384xf32, #tpu.memory_space<vmem>>) target_semaphore(%arg8 : memref<!tpu.dma_semaphore, #tpu.memory_space<semaphore_mem>>)
      } else {
      }
      %add3A_85 = arith.constant 1 : i32
      %add3A_86 = arith.addi %mul3A_52, %add3A_85 : i32
      %mul3A_87 = arith.constant 16384 : i32
      %mul3A_88 = arith.muli %add3A_86, %mul3A_87 : i32
      %add3A_89 = arith.addi %mul3A_2, %mul3A_88 : i32
      %dma_wait3A_90 = arith.constant 1 : i32
      %dma_wait3A_91 = arith.constant 0 : i32
      %dma_wait3A_92 = tpu.memref_slice %arg6[%dma_wait3A_90, %dma_wait3A_91] : memref<2x16384xf32, #tpu.memory_space<vmem>> -> memref<1x16384xf32, #tpu.memory_space<vmem>>
      %dma_wait3A_93 = tpu.memref_squeeze %dma_wait3A_92 : memref<1x16384xf32, #tpu.memory_space<vmem>> -> memref<16384xf32, #tpu.memory_space<vmem>>
      %dma_wait3A_94 = tpu.memref_slice %arg2[%add3A_89] : memref<16777216xf32, #tpu.memory_space<hbm>> -> memref<16384xf32, #tpu.memory_space<hbm>>
      %dma_wait3A_95 = arith.constant 0 : i32
      %dma_wait3A_96 = tpu.memref_slice %arg6[%dma_wait3A_90, %dma_wait3A_95] : memref<2x16384xf32, #tpu.memory_space<vmem>> -> memref<1x16384xf32, #tpu.memory_space<vmem>>
      %dma_wait3A_97 = tpu.memref_squeeze %dma_wait3A_96 : memref<1x16384xf32, #tpu.memory_space<vmem>> -> memref<16384xf32, #tpu.memory_space<vmem>>
      %dma_wait3A_98 = tpu.memref_slice %arg2[%add3A_89] : memref<16777216xf32, #tpu.memory_space<hbm>> -> memref<16384xf32, #tpu.memory_space<hbm>>
      tpu.wait_dma2 semaphore(%arg9 : memref<!tpu.dma_semaphore, #tpu.memory_space<semaphore_mem>>) src(%dma_wait3A_98 : memref<16384xf32, #tpu.memory_space<hbm>>) dst(%dma_wait3A_97 : memref<16384xf32, #tpu.memory_space<vmem>>)
      %ge3A_99 = arith.constant 1 : i32
      %ge3A_100 = arith.cmpi sge, %scan3A_50, %ge3A_99 : i32
      %convert_element_type3A_101 = arith.extui %ge3A_100 : i1 to i32
      %cond3A_102 = arith.constant 0 : i32
      %cond3A_103 = arith.cmpi ne, %convert_element_type3A_101, %cond3A_102 : i32
      scf.if %cond3A_103 {
        %sub3A = arith.constant 1 : i32
        %sub3A_126 = arith.subi %mul3A_52, %sub3A : i32
        %mul3A_127 = arith.constant 16384 : i32
        %mul3A_128 = arith.muli %sub3A_126, %mul3A_127 : i32
        %add3A_129 = arith.addi %mul3A_2, %mul3A_128 : i32
        %dma_wait3A_130 = arith.constant 1 : i32
        %dma_wait3A_131 = arith.constant 0 : i32
        %dma_wait3A_132 = tpu.memref_slice %arg7[%dma_wait3A_130, %dma_wait3A_131] : memref<2x16384xf32, #tpu.memory_space<vmem>> -> memref<1x16384xf32, #tpu.memory_space<vmem>>
        %dma_wait3A_133 = tpu.memref_squeeze %dma_wait3A_132 : memref<1x16384xf32, #tpu.memory_space<vmem>> -> memref<16384xf32, #tpu.memory_space<vmem>>
        %dma_wait3A_134 = tpu.memref_slice %arg4[%add3A_129] : memref<16777216xf32, #tpu.memory_space<hbm>> -> memref<16384xf32, #tpu.memory_space<hbm>>
        %dma_wait3A_135 = tpu.memref_slice %arg4[%add3A_129] : memref<16777216xf32, #tpu.memory_space<hbm>> -> memref<16384xf32, #tpu.memory_space<hbm>>
        %dma_wait3A_136 = arith.constant 0 : i32
        %dma_wait3A_137 = tpu.memref_slice %arg7[%dma_wait3A_130, %dma_wait3A_136] : memref<2x16384xf32, #tpu.memory_space<vmem>> -> memref<1x16384xf32, #tpu.memory_space<vmem>>
        %dma_wait3A_138 = tpu.memref_squeeze %dma_wait3A_137 : memref<1x16384xf32, #tpu.memory_space<vmem>> -> memref<16384xf32, #tpu.memory_space<vmem>>
        tpu.wait_dma2 semaphore(%arg11 : memref<!tpu.dma_semaphore, #tpu.memory_space<semaphore_mem>>) src(%dma_wait3A_138 : memref<16384xf32, #tpu.memory_space<vmem>>) dst(%dma_wait3A_135 : memref<16384xf32, #tpu.memory_space<hbm>>)
      } else {
      }
      %parallel_loop3A_104 = arith.constant 0 : i32
      %parallel_loop3A_105 = arith.constant 1024 : i32
      %parallel_loop3A_106 = arith.constant 1 : i32
      scf.for %parallel_loop3A_126 = %parallel_loop3A_104 to %parallel_loop3A_105 step %parallel_loop3A_106  : i32 {
        %parallel_loop3A_127 = arith.constant 16 : i32
        %parallel_loop3A_128 = arith.muli %parallel_loop3A_126, %parallel_loop3A_127 : i32
        %parallel_loop3A_129 = arith.constant 1 : i32
        %parallel_loop3A_130 = arith.index_cast %parallel_loop3A_129 : i32 to index
        %parallel_loop3A_131 = arith.index_cast %parallel_loop3A_128 : i32 to index
        %parallel_loop3A_132 = tpu.vector_load %arg6[%parallel_loop3A_130, %parallel_loop3A_131] {strides = array<i32>} : memref<2x16384xf32, #tpu.memory_space<vmem>>, vector<16xf32>,
        %parallel_loop3A_133 = arith.constant -3.000000e+00 : f32
        %parallel_loop3A_134 = vector.broadcast %parallel_loop3A_133 : f32 to vector<16xf32>
        %parallel_loop3A_135 = arith.subf %parallel_loop3A_132, %parallel_loop3A_134 : vector<16xf32>
        %parallel_loop3A_136 = arith.constant 170.666672 : f32
        %parallel_loop3A_137 = vector.broadcast %parallel_loop3A_136 : f32 to vector<16xf32>
        %parallel_loop3A_138 = arith.mulf %parallel_loop3A_135, %parallel_loop3A_137 : vector<16xf32>
        %parallel_loop3A_139 = arith.constant 0.000000e+00 : f32
        %parallel_loop3A_140 = vector.broadcast %parallel_loop3A_139 : f32 to vector<16xf32>
        %parallel_loop3A_141 = arith.maximumf %parallel_loop3A_138, %parallel_loop3A_140 : vector<16xf32>
        %parallel_loop3A_142 = arith.constant 1.023000e+03 : f32
        %parallel_loop3A_143 = vector.broadcast %parallel_loop3A_142 : f32 to vector<16xf32>
        %parallel_loop3A_144 = arith.minimumf %parallel_loop3A_141, %parallel_loop3A_143 : vector<16xf32>
        %parallel_loop3A_145 = arith.fptosi %parallel_loop3A_144 : vector<16xf32> to vector<16xi32>
        %parallel_loop3A_146 = tpu.vector_load_idx %arg5[%parallel_loop3A_145] : memref<1024xf32, #tpu.memory_space<vmem>>[vector<16xi32>], vector<16xf32>,
        %parallel_loop3A_147 = arith.constant 16 : i32
        %parallel_loop3A_148 = arith.muli %parallel_loop3A_126, %parallel_loop3A_147 : i32
        %parallel_loop3A_149 = arith.constant 1 : i32
        %parallel_loop3A_150 = arith.index_cast %parallel_loop3A_149 : i32 to index
        %parallel_loop3A_151 = arith.index_cast %parallel_loop3A_148 : i32 to index
        %parallel_loop3A_152 = tpu.vector_load %arg7[%parallel_loop3A_150, %parallel_loop3A_151] {strides = array<i32>} : memref<2x16384xf32, #tpu.memory_space<vmem>>, vector<16xf32>,
        tpu.vector_store %arg7[%parallel_loop3A_150, %parallel_loop3A_151], %parallel_loop3A_146 {strides = array<i32>} : memref<2x16384xf32, #tpu.memory_space<vmem>>, vector<16xf32>,
      } {sc.loop_unroll_factor = 8 : i64, sc.parallel_access}
      %add3A_107 = arith.constant 1 : i32
      %add3A_108 = arith.addi %mul3A_52, %add3A_107 : i32
      %mul3A_109 = arith.constant 16384 : i32
      %mul3A_110 = arith.muli %add3A_108, %mul3A_109 : i32
      %add3A_111 = arith.addi %mul3A_2, %mul3A_110 : i32
      %dma_start3A_112 = arith.constant 1 : i32
      %dma_start3A_113 = arith.constant 0 : i32
      %dma_start3A_114 = tpu.memref_slice %arg7[%dma_start3A_112, %dma_start3A_113] : memref<2x16384xf32, #tpu.memory_space<vmem>> -> memref<1x16384xf32, #tpu.memory_space<vmem>>
      %dma_start3A_115 = tpu.memref_squeeze %dma_start3A_114 : memref<1x16384xf32, #tpu.memory_space<vmem>> -> memref<16384xf32, #tpu.memory_space<vmem>>
      %dma_start3A_116 = tpu.memref_slice %arg4[%add3A_111] : memref<16777216xf32, #tpu.memory_space<hbm>> -> memref<16384xf32, #tpu.memory_space<hbm>>
      %dma_start3A_117 = tpu.memref_slice %arg4[%add3A_111] : memref<16777216xf32, #tpu.memory_space<hbm>> -> memref<16384xf32, #tpu.memory_space<hbm>>
      %dma_start3A_118 = arith.constant 0 : i32
      %dma_start3A_119 = tpu.memref_slice %arg7[%dma_start3A_112, %dma_start3A_118] : memref<2x16384xf32, #tpu.memory_space<vmem>> -> memref<1x16384xf32, #tpu.memory_space<vmem>>
      %dma_start3A_120 = tpu.memref_squeeze %dma_start3A_119 : memref<1x16384xf32, #tpu.memory_space<vmem>> -> memref<16384xf32, #tpu.memory_space<vmem>>
      tpu.enqueue_dma source(%dma_start3A_120 : memref<16384xf32, #tpu.memory_space<vmem>>) target(%dma_start3A_117 : memref<16384xf32, #tpu.memory_space<hbm>>) target_semaphore(%arg11 : memref<!tpu.dma_semaphore, #tpu.memory_space<semaphore_mem>>)
      %lt3A_121 = arith.constant 15 : i32
      %lt3A_122 = arith.cmpi slt, %scan3A_50, %lt3A_121 : i32
      %convert_element_type3A_123 = arith.extui %lt3A_122 : i1 to i32
      %cond3A_124 = arith.constant 0 : i32
      %cond3A_125 = arith.cmpi ne, %convert_element_type3A_123, %cond3A_124 : i32
      scf.if %cond3A_125 {
        %add3A_126 = arith.constant 3 : i32
        %add3A_127 = arith.addi %mul3A_52, %add3A_126 : i32
        %mul3A_128 = arith.constant 16384 : i32
        %mul3A_129 = arith.muli %add3A_127, %mul3A_128 : i32
        %add3A_130 = arith.addi %mul3A_2, %mul3A_129 : i32
        %dma_start3A_131 = arith.constant 1 : i32
        %dma_start3A_132 = arith.constant 0 : i32
        %dma_start3A_133 = tpu.memref_slice %arg6[%dma_start3A_131, %dma_start3A_132] : memref<2x16384xf32, #tpu.memory_space<vmem>> -> memref<1x16384xf32, #tpu.memory_space<vmem>>
        %dma_start3A_134 = tpu.memref_squeeze %dma_start3A_133 : memref<1x16384xf32, #tpu.memory_space<vmem>> -> memref<16384xf32, #tpu.memory_space<vmem>>
        %dma_start3A_135 = tpu.memref_slice %arg2[%add3A_130] : memref<16777216xf32, #tpu.memory_space<hbm>> -> memref<16384xf32, #tpu.memory_space<hbm>>
        %dma_start3A_136 = arith.constant 0 : i32
        %dma_start3A_137 = tpu.memref_slice %arg6[%dma_start3A_131, %dma_start3A_136] : memref<2x16384xf32, #tpu.memory_space<vmem>> -> memref<1x16384xf32, #tpu.memory_space<vmem>>
        %dma_start3A_138 = tpu.memref_squeeze %dma_start3A_137 : memref<1x16384xf32, #tpu.memory_space<vmem>> -> memref<16384xf32, #tpu.memory_space<vmem>>
        %dma_start3A_139 = tpu.memref_slice %arg2[%add3A_130] : memref<16777216xf32, #tpu.memory_space<hbm>> -> memref<16384xf32, #tpu.memory_space<hbm>>
        tpu.enqueue_dma source(%dma_start3A_139 : memref<16384xf32, #tpu.memory_space<hbm>>) target(%dma_start3A_138 : memref<16384xf32, #tpu.memory_space<vmem>>) target_semaphore(%arg9 : memref<!tpu.dma_semaphore, #tpu.memory_space<semaphore_mem>>)
      } else {
      }
    }
    %scan3A_28 = arith.constant 16 : i32
    %add3A_29 = arith.constant 491520 : i32
    %add3A_30 = arith.addi %mul3A_2, %add3A_29 : i32
    %dma_wait3A = arith.constant 0 : i32
    %dma_wait3A_31 = arith.constant 0 : i32
    %dma_wait3A_32 = tpu.memref_slice %arg7[%dma_wait3A, %dma_wait3A_31] : memref<2x16384xf32, #tpu.memory_space<vmem>> -> memref<1x16384xf32, #tpu.memory_space<vmem>>
    %dma_wait3A_33 = tpu.memref_squeeze %dma_wait3A_32 : memref<1x16384xf32, #tpu.memory_space<vmem>> -> memref<16384xf32, #tpu.memory_space<vmem>>
    %dma_wait3A_34 = tpu.memref_slice %arg4[%add3A_30] : memref<16777216xf32, #tpu.memory_space<hbm>> -> memref<16384xf32, #tpu.memory_space<hbm>>
    %dma_wait3A_35 = tpu.memref_slice %arg4[%add3A_30] : memref<16777216xf32, #tpu.memory_space<hbm>> -> memref<16384xf32, #tpu.memory_space<hbm>>
    %dma_wait3A_36 = arith.constant 0 : i32
    %dma_wait3A_37 = tpu.memref_slice %arg7[%dma_wait3A, %dma_wait3A_36] : memref<2x16384xf32, #tpu.memory_space<vmem>> -> memref<1x16384xf32, #tpu.memory_space<vmem>>
    %dma_wait3A_38 = tpu.memref_squeeze %dma_wait3A_37 : memref<1x16384xf32, #tpu.memory_space<vmem>> -> memref<16384xf32, #tpu.memory_space<vmem>>
    tpu.wait_dma2 semaphore(%arg10 : memref<!tpu.dma_semaphore, #tpu.memory_space<semaphore_mem>>) src(%dma_wait3A_38 : memref<16384xf32, #tpu.memory_space<vmem>>) dst(%dma_wait3A_35 : memref<16384xf32, #tpu.memory_space<hbm>>)
    %add3A_39 = arith.constant 507904 : i32
    %add3A_40 = arith.addi %mul3A_2, %add3A_39 : i32
    %dma_wait3A_41 = arith.constant 1 : i32
    %dma_wait3A_42 = arith.constant 0 : i32
    %dma_wait3A_43 = tpu.memref_slice %arg7[%dma_wait3A_41, %dma_wait3A_42] : memref<2x16384xf32, #tpu.memory_space<vmem>> -> memref<1x16384xf32, #tpu.memory_space<vmem>>
    %dma_wait3A_44 = tpu.memref_squeeze %dma_wait3A_43 : memref<1x16384xf32, #tpu.memory_space<vmem>> -> memref<16384xf32, #tpu.memory_space<vmem>>
    %dma_wait3A_45 = tpu.memref_slice %arg4[%add3A_40] : memref<16777216xf32, #tpu.memory_space<hbm>> -> memref<16384xf32, #tpu.memory_space<hbm>>
    %dma_wait3A_46 = tpu.memref_slice %arg4[%add3A_40] : memref<16777216xf32, #tpu.memory_space<hbm>> -> memref<16384xf32, #tpu.memory_space<hbm>>
    %dma_wait3A_47 = arith.constant 0 : i32
    %dma_wait3A_48 = tpu.memref_slice %arg7[%dma_wait3A_41, %dma_wait3A_47] : memref<2x16384xf32, #tpu.memory_space<vmem>> -> memref<1x16384xf32, #tpu.memory_space<vmem>>
    %dma_wait3A_49 = tpu.memref_squeeze %dma_wait3A_48 : memref<1x16384xf32, #tpu.memory_space<vmem>> -> memref<16384xf32, #tpu.memory_space<vmem>>
    tpu.wait_dma2 semaphore(%arg11 : memref<!tpu.dma_semaphore, #tpu.memory_space<semaphore_mem>>) src(%dma_wait3A_49 : memref<16384xf32, #tpu.memory_space<vmem>>) dst(%dma_wait3A_46 : memref<16384xf32, #tpu.memory_space<hbm>>)
    return
  }
}

</mosaic_0001>

<sc_bundles>
// kernel: kernel.3.cloned.1.call-start
scs
__scs_entry_jumppad:
0x0: {  	(pc) =	sbr.rel $0x88, $3  }
0x1: {  	(tag) =	ssettag $0x0;
	lr =	simm.s32 $0x1  }
0x2: {  	[smem:$0x3F9F] =	sst lr;
	_ =	strace $0xD0000000  }
0x3: {  	_ = 	snop  }
0x4: {  	_ = 	snop  }
0x5: {  	_ = 	snop  }
0x6: {  	_ = 	snop  }
0x7: {  	_ = 	snop  }
__scs_overlays_trampoline_lowered:
0x8: {  	[smem:$0x3FAE] =	sst s0  }
0x9: {  	[smem:$0x3FAF] =	sst s1  }
0xa: {  	[smem:$0x3FB0] =	sst s2  }
0xb: {  	[smem:$0x3FB1] =	sst s3  }
0xc: {  	[smem:$0x3FB2] =	sst s4  }
0xd: {  	[smem:$0x3FB3] =	sst s5  }
0xe: {  	[smem:$0x3FB4] =	sst s6  }
0xf: {  	[smem:$0x3FB5] =	sst s7  }
0x10: {  	[smem:$0x3FB6] =	sst s8  }
0x11: {  	[smem:$0x3FB7] =	sst s9;
	s0 =	simm.s32 @!p0 $0x0  }
0x12: {  	s1 =	sld [smem:$0x3F9D];
	s0 =	simm.s32 @p0 $0x1  }
0x13: {  	[smem:$0x3FB8] =	sst s0;
	s0 =	simm.s32 @!p1 $0x0  }
0x14: {  	s2 =	sld [smem:$0x3F9C];
	s0 =	simm.s32 @p1 $0x1  }
0x15: {  	[smem:$0x3FB9] =	sst s0;
	s0 =	simm.s32 @!p2 $0x0  }
0x16: {  	s3 =	sld [smem:$0x3FDB];
	s0 =	simm.s32 @p2 $0x1  }
0x17: {  	s4 =	simm.s32 $0x1BF5;
	[smem:$0x3FBB] =	sst s0  }
0x18: {  	s0 =	sld [smem:$0x3F9E];
	_ =	swait.ge [sflag:s4], $0x0  }
0x19: {  	s7 =	sld [smem:$0x3F9F]  }
0x1a: {  	s8 =	sadd.s32 $0xFFFFE003, lr  }
0x1b: {  	s9 =	sadd.s32 $0xFFFFFEF7, lr;
	s5 =	simm.s32 $0xFFFFFFFF;
	p2 =	slt.u32 s8, $0xFFFFF086  }
0x1c: {  	p1 =	slt.u32 s9, $0xF7A;
	s5 =	simm.s32 @!p2 $0x0  }
0x1d: {  	s5 =	simm.s32 @p1 $0x1;
	p0 =	seq.s32 s7, s2  }
0x1e: {  	s7 =	smul.u32 @!p0 $0xF7A, s2;
	p2 =	seq.s32 @!p0 s5, $0x0  }
0x1f: {  	s9 =	smul.u32 $0xF7A, s1;
	s8 =	simm.s32 @!p0 $0x1BF5;
	p2 =	por !p2, p0  }
0x20: {  	[sflag:s8] =	ssyncset.s32 @!p0 $0xFFFFF086;
	s6 =	sadd.s32 @!p0 s3, s7;
	s7 =	simm.s32 @!p0 $0x108  }
0x21: {  	s3 =	sadd.s32 s3, s9;
	s6 =	sadd.s32 @!p0 $0x88, s6;
	s7 =	simm.s32 @p2 $0x1082  }
0x22: {  	[simem:s7], [sflag:s8] =	dma.local @!p0 [hbm:s6], $0xF7A  }
0x23: {  	s9 =	sor.u32 $0xD0000000, s2;
	s6 =	simm.s32 $0x108;
	_ =	swait.ge @!p0 [sflag:s8], $0x0  }
0x24: {  	s3 =	sadd.s32 $0x88, s3;
	s6 =	simm.s32 @!p1 $0x1082;
	[sflag:s4] =	ssyncset.s32 $0xFFFFF086  }
0x25: {  	[simem:s6], [sflag:s4] =	dma.local [hbm:s3], $0xF7A  }
0x26: {  	[smem:$0x3F9F] =	sst s1;
	(tag) =	ssettag s2;
	_ =	strace s9  }
0x27: {  	s1 =	sld [smem:$0x3FAF]  }
0x28: {  	s2 =	sld [smem:$0x3FB0]  }
0x29: {  	s4 =	sld [smem:$0x3FB2]  }
0x2a: {  	p0 =	seq.s32 s5, $0x0;
	s5 =	sld [smem:$0x3FB3]  }
0x2b: {  	s6 =	sld [smem:$0x3FB4]  }
0x2c: {  	s7 =	sld [smem:$0x3FB5]  }
0x2d: {  	s3 =	simm.s32 $0x108;
	s8 =	sld [smem:$0x3FB6]  }
0x2e: {  	s3 =	simm.s32 @!p0 $0x1082;
	s9 =	sld [smem:$0x3FB7]  }
0x2f: {  	lr =	sadd.s32 s0, s3;
	s0 =	sld [smem:$0x3FAE]  }
0x30: {  	s3 =	sld [smem:$0x3FB1]  }
0x31: {  	[smem:$0x3FBA] =	sst s10  }
0x32: {  	s10 =	sld [smem:$0x3FB8];
	_ =	sdelay $0x3  }
0x33: {  	p0 =	seq.s32 s10, $0x1;
	s10 =	sld [smem:$0x3FBA];
	_ =	sdelay $0x3  }
0x34: {  	[smem:$0x3FBA] =	sst s10  }
0x35: {  	s10 =	sld [smem:$0x3FB9];
	_ =	sdelay $0x3  }
0x36: {  	p1 =	seq.s32 s10, $0x1;
	s10 =	sld [smem:$0x3FBA];
	_ =	sdelay $0x3  }
0x37: {  	[smem:$0x3FBA] =	sst s10  }
0x38: {  	s10 =	sld [smem:$0x3FBB]  }
0x39: {  	_ = 	snop;
	(pc) =	sbr.ind lr, $3  }
0x3a: {  	_ = 	snop  }
0x3b: {  	_ = 	snop  }
0x3c: {  	p2 =	seq.s32 s10, $0x1;
	s10 =	sld [smem:$0x3FBA]  }
0x3d: {  	_ =	shalt  }
0x3e: {  	_ =	shalt  }
0x3f: {  	_ =	shalt  }
0x40: {  	_ =	shalt  }
0x41: {  	_ =	shalt  }
0x42: {  	_ =	shalt  }
0x43: {  	_ =	shalt  }
0x44: {  	_ =	shalt  }
0x45: {  	_ =	shalt  }
0x46: {  	_ =	shalt  }
0x47: {  	_ =	shalt  }
0x48: {  	_ =	shalt  }
0x49: {  	_ =	shalt  }
0x4a: {  	_ =	shalt  }
0x4b: {  	_ =	shalt  }
0x4c: {  	_ =	shalt  }
0x4d: {  	_ =	shalt  }
0x4e: {  	_ =	shalt  }
0x4f: {  	_ =	shalt  }
0x50: {  	_ =	shalt  }
0x51: {  	_ =	shalt  }
0x52: {  	_ =	shalt  }
0x53: {  	_ =	shalt  }
0x54: {  	_ =	shalt  }
0x55: {  	_ =	shalt  }
0x56: {  	_ =	shalt  }
0x57: {  	_ =	shalt  }
0x58: {  	_ =	shalt  }
0x59: {  	_ =	shalt  }
0x5a: {  	_ =	shalt  }
0x5b: {  	_ =	shalt  }
0x5c: {  	_ =	shalt  }
0x5d: {  	_ =	shalt  }
0x5e: {  	_ =	shalt  }
0x5f: {  	_ =	shalt  }
0x60: {  	_ =	shalt  }
0x61: {  	_ =	shalt  }
0x62: {  	_ =	shalt  }
0x63: {  	_ =	shalt  }
0x64: {  	_ =	shalt  }
0x65: {  	_ =	shalt  }
0x66: {  	_ =	shalt  }
0x67: {  	_ =	shalt  }
0x68: {  	_ =	shalt  }
0x69: {  	_ =	shalt  }
0x6a: {  	_ =	shalt  }
0x6b: {  	_ =	shalt  }
0x6c: {  	_ =	shalt  }
0x6d: {  	_ =	shalt  }
0x6e: {  	_ =	shalt  }
0x6f: {  	_ =	shalt  }
0x70: {  	_ =	shalt  }
0x71: {  	_ =	shalt  }
0x72: {  	_ =	shalt  }
0x73: {  	_ =	shalt  }
0x74: {  	_ =	shalt  }
0x75: {  	_ =	shalt  }
0x76: {  	_ =	shalt  }
0x77: {  	_ =	shalt  }
0x78: {  	_ =	shalt  }
0x79: {  	_ =	shalt  }
0x7a: {  	_ =	shalt  }
0x7b: {  	_ =	shalt  }
0x7c: {  	_ =	shalt  }
0x7d: {  	_ =	shalt  }
0x7e: {  	_ =	shalt  }
0x7f: {  	_ =	shalt  }
0x80: {  	_ =	shalt  }
0x81: {  	_ =	shalt  }
0x82: {  	_ =	shalt  }
0x83: {  	_ =	shalt  }
0x84: {  	_ =	shalt  }
0x85: {  	_ =	shalt  }
0x86: {  	_ =	shalt  }
0x87: {  	_ =	shalt  }
.Lfunc_end0:
.L_simem_size_0:
called_computation_lowered:
.L_overlay_start_0:
0x88: {  	s2 =	sld [smem:$0x3FD9]  }
0x89: {  	s3 =	sld [smem:$0x3FFE];
	_ =	sdelay $0x1  }
0x8a: {  	s1 =	srdreg.scid  }
0x8b: {  	s0 =	sand.u32 $0x1, s1  }
0x8c: {  	s18 =	sshll.u32 s0, $0xA;
	s2 =	sadd.s32 s3, s2  }
0x8d: {  	s2 =	sadd.s32 s2, s18  }
0x8e: {  	[smem:$0x3FC6] =	sst s2  }
0x8f: {  	_ = 	snop  }
0x90: {  	s2 =	sld [smem:$0x3FC9]  }
0x91: {  	s19 =	sld [smem:$0x3FC8]  }
0x92: {  	s4 =	sld [smem:$0x3FD0];
	(tm) =	ssettm $0x1  }
0x93: {  	s5 =	sld [smem:$0x3FFB];
	_ =	sdelay $0x3  }
0x94: {  	_ =	strace s5  }
0x95: {  	s5 =	sld [smem:$0x3FFC];
	_ =	sdelay $0x3  }
0x96: {  	_ =	strace s5  }
0x97: {  	s5 =	sld [smem:$0x3FFD];
	_ =	sdelay $0x3  }
0x98: {  	_ =	strace s5  }
0x99: {  	_ =	strace $0x8FFFFFFF  }
0x9a: {  	s20 =	sld [smem:$0x3FDB];
	_ =	sdelay $0x1  }
0x9b: {  	s6 =	simm.s32 $_scs_section_size  }
0x9c: {  	s7 =	simm.s32 $_size__tile_overlayer_lowered;
	s8 =	simm.s32 $_tile_overlayer_lowered  }
0x9d: {  	s23 =	simm.s32 $0x1BFF;
	s22 =	sshll.u32 s8, $0x1;
	s5 =	sadd.s32 s6, s20  }
0x9e: {  	s9 =	simm.s32 $0x0;
	s21 =	sshll.u32 s7, $0x1;
	s7 =	sadd.s32 s22, s5  }
0x9f: {  	[timem:s9], [sflag:s23] =	dma.local [hbm:s7], s21  }
0xa0: {  	_ =	swait.ge [sflag:s23], s21  }
0xa1: {  	s6 =	ssub.s32 $0x0, s21;
	[sflag:s23] =	ssyncset.done $0x0  }
0xa2: {  	[sflag:s23] =	ssyncadd.s32 s6;
	_ =	sdelay $0x1  }
0xa3: {  	s24 =	simm.s32 $0x1B8B  }
0xa4: {  	_ =	swait.ge [sflag:s24], $0x1  }
0xa5: {  	[sflag:s24] =	ssyncset.done $0x0  }
0xa6: {  	s25 =	simm.s32 $0x1B8E;
	[sflag:s24] =	ssyncadd.s32 $0xFFFFFFFF  }
0xa7: {  	s26 =	simm.s32 $execute0_lowered;
	[smem:$0x3FD2] =	sst s25  }
0xa8: {  	s6 =	sshll.u32 s26, $0x1;
	_ =	strace $0x80000046;
	[dreg:$0x1] =	wrdreg $0xFFFFFFFF  }
0xa9: {  	s28 =	simm.s32 $_size_execute0_lowered;
	s5 =	sadd.s32 s5, s6;
	[dreg:$0x0] =	wrdreg $0x0  }
0xaa: {  	s6 =	sshll.u32 s28, $0x1;
	[dreg:$0x2] =	wrdreg s5  }
0xab: {  	[dreg:$0x3] =	wrdreg s6  }
0xac: {  	[dreg:$0x4] =	wrdreg $0xC0  }
0xad: {  	_ =	task [dreg:s9], $0x5FFFF  }
0xae: {  	[dreg:$0x1] =	wrdreg $0xFFFFFFFF  }
0xaf: {  	[dreg:$0x0] =	wrdreg $0x60  }
0xb0: {  	[dreg:$0x2] =	wrdreg s2  }
0xb1: {  	[dreg:$0x3] =	wrdreg s19  }
0xb2: {  	[dreg:$0x4] =	wrdreg s4  }
0xb3: {  	[dreg:$0x5] =	wrdreg $0x9  }
0xb4: {  	_ =	task.clear_ibuf [dreg:s9], $0x6FFFF;
	_ =	strace $0x90000046  }
0xb5: {  	s29 =	simm.s32 $0x9;
	_ =	strace $0x80000048  }
0xb6: {  	_ =	swait.ge [sflag:s29], $0x1  }
0xb7: {  	[sflag:s29] =	ssyncadd.s32 $0xFFFFFFFF  }
0xb8: {  	_ =	strace $0x90000048  }
0xb9: {  	_ =	sfence  }
0xba: {  	s30 =	sld [smem:$0x0];
	_ =	sdelay $0x2  }
0xbb: {  	s31 =	sshll.u32 s1, $0xD;
	s1 =	sshrl.u32 s1, $0x2  }
0xbc: {  	s3 =	sand.u32 $0x4000, s31;
	s1 =	sadd.s32 s1, s30  }
0xbd: {  	s0 =	sor.u32 s3, s0;
	s1 =	sshll.u32 s1, $0x11  }
0xbe: {  	s0 =	sor.u32 s1, s0  }
0xbf: {  	s0 =	sadd.s32 $0x8F2B, s0  }
0xc0: {  	[sflag:s0] =	ssyncadd.remote.s32 $0x1  }
0xc1: {  	_ =	sfence.sel $0xFFFF  }
0xc2: {  	[dreg:$0x0] =	wrdreg $0xFFFFFFFF;
	(pc) =	sbr.abs _section_cstart, $3  }
0xc3: {  	[dreg:$0x1] =	wrdreg $0xFFFFFFFF  }
0xc4: {  	_ =	task.clear_ibuf [dreg:s9], $0x2FFFF;
	_ =	strace $0x9FFFFFFF  }
0xc5: {  	(tm) =	ssettm $0x7FFFFFFF  }
tec
execute0_lowered:
.L_overlay_start_1:
0x0: {  	(tag) =	ssettag $0x1  }
0x1: {  	s1 =	rddreg [dreg:$0x0]  }
0x2: {  	s2 =	srdreg.scid;
	s3 =	rddreg [dreg:$0x1]  }
0x3: {  	s0 =	stileid.u32;
	s4 =	rddreg [dreg:$0x2];
	s5 =	simm.s32 $0x0  }
0x4: {  	s12 =	simm.s32 $0x400;
	s13 =	simm.s32 $0x4400;
	s14 =	simm.s32 $0x5  }
0x5: {  	s15 =	simm.s32 $0x1;
	s16 =	simm.s32 $0x8400;
	s17 =	simm.s32 $0x2  }
0x6: {  	s18 =	simm.s32 $0x4;
	s19 =	simm.s32 $0xC400;
	s20 =	simm.s32 $0x3  }
0x7: {  	s21 =	simm.s32 $0x0;
	s7 =	sand.u32 $0x1, s2;
	s6 =	sshll.u32 s0, $0x14  }
.Ltmp0:
0x8: {  	s2 =	rddreg [dreg:$0x3];
	s8 =	sshll.u32 s7, $0x13;
	(pc) =	sbr.rel .LBB2_1-.Ltmp0, $4  }
0x9: {  	[smem:$0x7FF] =	sst s5;
	s30 =	ssub.s32 $0x2, s7;
	s6 =	sor.u32 s8, s6  }
0xa: {  	_ =	strace $0x80000047;
	s9 =	sshrl.u32 s30, $0x1;
	s31 =	sshrl.u32 s6, $0x3  }
0xb: {  	s11 =	ssub.s32 s30, s9;
	s9 =	sor.u32 $0x8000, s6;
	s7 =	sadd.s32 s1, s31  }
0xc: {  	s10 =	sor.u32 $0xC000, s6;
	s11 =	smax.u32 s11, $0x1;
	s8 =	sadd.s32 $0x800, s7  }
.LBB2_12:
0xd: {  	s21 =	sadd.s32 $0x1, s21  }
0xe: {  	_ =	swait.ge [sflag:s20], $0x4000;
	p0 =	sne.s32 s21, s11  }
.Ltmp1:
0xf: {  	[sflag:s20] =	ssyncset.done $0x0;
	(pc) =	sbr.rel @!p0 .LBB2_13-.Ltmp1, $4  }
0x10: {  	[sflag:s20] =	ssyncadd.s32 $0xFFFFC000  }
0x11: {  	_ =	swait.ge [sflag:s18], $0x4000  }
0x12: {  	[sflag:s18] =	ssyncset.done $0x0  }
0x13: {  	[sflag:s18] =	ssyncadd.s32 $0xFFFFC000  }
.LBB2_1:
0x14: {  	[tilespmem:s12], [sflag:$0x1] =	stream.linear.gather [hbm4b:s7+s5], $0x4000, $0x38;
	[tilespmem:$0x10400] =	vst v63  }
0x15: {  	_ = 	snop  }
0x16: {  	[tilespmem:s13], [sflag:$0x2] =	stream.linear.gather [hbm4b:s8+s5], $0x4000, $0x38;
	[tilespmem:$0x10400] =	vst v63  }
0x17: {  	_ = 	snop  }
0x18: {  	[tilespmem:s5], [sflag:$0x5] =	stream.linear.gather [hbm4b:s3+s5], $0x400, $0x38;
	[tilespmem:$0x10400] =	vst v63  }
0x19: {  	_ =	swait.ge [sflag:s14], $0x400  }
0x1a: {  	[sflag:s14] =	ssyncset.done $0x0  }
0x1b: {  	s22 =	simm.s32 $0x0;
	[sflag:s14] =	ssyncadd.s32 $0xFFFFFC00  }
.LBB2_2:
0x1c: {  	_ =	swait.ge [sflag:s15], $0x4000  }
0x1d: {  	p0 =	seq.s32 s22, $0x0;
	[sflag:s15] =	ssyncset.done $0x0  }
0x1e: {  	s23 =	simm.s32 @!p0 $0x3;
	[sflag:s15] =	ssyncadd.s32 $0xFFFFC000  }
0x1f: {  	_ =	swait.ge @!p0 [sflag:s23], $0x4000  }
0x20: {  	[sflag:s23] =	ssyncset.done @!p0 $0x0  }
0x21: {  	s30 =	simm.s32 $0x440;
	[sflag:s23] =	ssyncadd.s32 @!p0 $0xFFFFC000  }
0x22: {  	v0 =	vld [tilespmem:s30+$0xFFFFFFC0]  }
0x23: {  	v1 =	vld [tilespmem:s30+$0x30]  }
0x24: {  	v2 =	vld [tilespmem:s30+$0x20]  }
0x25: {  	v3 =	vld [tilespmem:s30+$0x10]  }
0x26: {  	v4 =	vld [tilespmem:s30+$0x0]  }
0x27: {  	v5 =	vld [tilespmem:s30+$0xFFFFFFF0]  }
0x28: {  	v6 =	vld [tilespmem:s30+$0xFFFFFFE0]  }
0x29: {  	s31 =	simm.s32 $0x4C0;
	v7 =	vld [tilespmem:s30+$0xFFFFFFD0]  }
0x2a: {  	v10 =	vld [tilespmem:s31+$0x30];
	v0 =	vadd.f32 $3.000000000e+00, v0  }
0x2b: {  	v1 =	vadd.f32 $3.000000000e+00, v1;
	v2 =	vadd.f32 $3.000000000e+00, v2  }
0x2c: {  	v8 =	vld [tilespmem:s31+$0xFFFFFFC0];
	v3 =	vadd.f32 $3.000000000e+00, v3;
	v4 =	vadd.f32 $3.000000000e+00, v4  }
0x2d: {  	v5 =	vadd.f32 $3.000000000e+00, v5;
	v6 =	vadd.f32 $3.000000000e+00, v6;
	v0 =	vmul.f32 $1.706666720e+02, v0  }
0x2e: {  	v7 =	vadd.f32 $3.000000000e+00, v7;
	v1 =	vmul.f32 $1.706666720e+02, v1;
	v2 =	vmul.f32 $1.706666720e+02, v2  }
0x2f: {  	v10 =	vadd.f32 $3.000000000e+00, v10;
	v3 =	vmul.f32 $1.706666720e+02, v3;
	v5 =	vmul.f32 $1.706666720e+02, v5  }
0x30: {  	v6 =	vmul.f32 $1.706666720e+02, v6;
	v4 =	vmul.f32 $1.706666720e+02, v4  }
0x31: {  	v8 =	vadd.f32 $3.000000000e+00, v8;
	v7 =	vmul.f32 $1.706666720e+02, v7;
	v10 =	vmul.f32 $1.706666720e+02, v10  }
0x32: {  	v0 =	vmax.f32 v0, $0.0e+00;
	v1 =	vmax.f32 v1, $0.0e+00;
	v2 =	vmax.f32 v2, $0.0e+00  }
0x33: {  	v3 =	vmax.f32 v3, $0.0e+00;
	v6 =	vmax.f32 v6, $0.0e+00;
	v5 =	vmax.f32 v5, $0.0e+00  }
0x34: {  	v4 =	vmax.f32 v4, $0.0e+00;
	v0 =	vmin.f32 v0, $1.023000000e+03;
	v1 =	vmin.f32 v1, $1.023000000e+03  }
0x35: {  	v3 =	vmin.f32 v3, $1.023000000e+03;
	v1 =	vtrunc.f32 v1;
	v0 =	vtrunc.f32 v0  }
0x36: {  	v9 =	vld [tilespmem:s31+$0xFFFFFFE0];
	v6 =	vmin.f32 v6, $1.023000000e+03;
	v3 =	vtrunc.f32 v3;
	v0 =	vcvt.f32.s32 v0  }
0x37: {  	v11 =	vld [tilespmem:s31+$0x20];
	v2 =	vmin.f32 v2, $1.023000000e+03;
	v6 =	vtrunc.f32 v6;
	v3 =	vcvt.f32.s32 v3  }
0x38: {  	v12 =	vld [tilespmem:s31+$0x10];
	v5 =	vmin.f32 v5, $1.023000000e+03;
	v2 =	vtrunc.f32 v2;
	v1 =	vcvt.f32.s32 v1  }
0x39: {  	v13 =	vld [tilespmem:s31+$0x0];
	v4 =	vmin.f32 v4, $1.023000000e+03;
	v5 =	vtrunc.f32 v5;
	v2 =	vcvt.f32.s32 v2  }
0x3a: {  	v14 =	vld [tilespmem:s31+$0xFFFFFFF0];
	v7 =	vmax.f32 v7, $0.0e+00;
	v4 =	vtrunc.f32 v4;
	v5 =	vcvt.f32.s32 v5  }
0x3b: {  	v16 =	vld [tilespmem:s31+$0xFFFFFFD0];
	v7 =	vmin.f32 v7, $1.023000000e+03;
	v6 =	vcvt.f32.s32 v6;
	v17 =	vcvt.f32.s32 v4  }
0x3c: {  	v15 =	vld.idx.msk [tilespmem:v0+s5+$0x0], $0xffff;
	v0 =	vtrunc.f32 v7;
	v7 =	vmul.f32 $1.706666720e+02, v8;
	v8 =	vadd.f32 $3.000000000e+00, v11  }
0x3d: {  	v18 =	vld.idx.msk [tilespmem:v3+s5+$0x0], $0xffff;
	v11 =	vcvt.f32.s32 v0;
	v0 =	vadd.f32 $3.000000000e+00, v12  }
0x3e: {  	v10 =	vmax.f32 v10, $0.0e+00;
	v3 =	vld.idx.msk [tilespmem:v1+s5+$0x0], $0xffff;
	v4 =	vmax.f32 v7, $0.0e+00;
	v12 =	vmul.f32 $1.706666720e+02, v8  }
0x3f: {  	v1 =	vld.idx.msk [tilespmem:v2+s5+$0x0], $0xffff;
	v7 =	vadd.f32 $3.000000000e+00, v13;
	v13 =	vadd.f32 $3.000000000e+00, v14;
	v14 =	vmul.f32 $1.706666720e+02, v0  }
0x40: {  	v2 =	vld.idx.msk [tilespmem:v5+s5+$0x0], $0xffff;
	v8 =	vmin.f32 v4, $1.023000000e+03;
	v4 =	vadd.f32 $3.000000000e+00, v9;
	v19 =	vmax.f32 v12, $0.0e+00  }
0x41: {  	s25 =	simm.s32 $0x8440;
	v0 =	vld.idx.msk [tilespmem:v6+s5+$0x0], $0xffff;
	v9 =	vmul.f32 $1.706666720e+02, v13;
	v6 =	vmul.f32 $1.706666720e+02, v7;
	v12 =	vmax.f32 v14, $0.0e+00  }
0x42: {  	s28 =	simm.s32 $0x8;
	s23 =	sshll.u32 s22, $0xF;
	v5 =	vld.idx.msk [tilespmem:v17+s5+$0x0], $0xffff;
	v14 =	vmin.f32 v10, $1.023000000e+03;
	[tilespmem:s25+$0xFFFFFFC0] =	vst v15;
	v13 =	vmul.f32 $1.706666720e+02, v4;
	v10 =	vmin.f32 v19, $1.023000000e+03  }
0x43: {  	s29 =	simm.s32 $0x540;
	s26 =	simm.s32 $0x8440;
	s24 =	sor.u32 s6, s23;
	[tilespmem:s25+$0x10] =	vst v18;
	v12 =	vmin.f32 v12, $1.023000000e+03;
	v7 =	vtrunc.f32 v14;
	v4 =	vld.idx.msk [tilespmem:v11+s5+$0x0], $0xffff;
	v11 =	vadd.f32 $3.000000000e+00, v16  }
.LBB2_3:
0x44: {  	v14 =	vld [tilespmem:s29+$0xFFFFFFE0];
	s28 =	sadd.s32 $0x8, s28;
	v8 =	vtrunc.f32 v8;
	v13 =	vmax.f32 v13, $0.0e+00;
	v9 =	vmax.f32 v9, $0.0e+00;
	[tilespmem:s25+$0x30] =	vst v3;
	s26 =	sadd.s32 $0x80, s26  }
0x45: {  	v12 =	vtrunc.f32 v12;
	v3 =	vld [tilespmem:s29+$0xFFFFFFC0];
	p1 =	slt.u32 s28, $0x3F8;
	v8 =	vcvt.f32.s32 v8;
	v13 =	vmin.f32 v13, $1.023000000e+03;
	[tilespmem:s25+$0x20] =	vst v1  }
0x46: {  	v9 =	vmin.f32 v9, $1.023000000e+03;
	v12 =	vcvt.f32.s32 v12;
	v1 =	vld [tilespmem:s29+$0x30];
	v13 =	vtrunc.f32 v13;
	[tilespmem:s25+$0xFFFFFFE0] =	vst v0  }
0x47: {  	v6 =	vmax.f32 v6, $0.0e+00;
	v10 =	vtrunc.f32 v10;
	v11 =	vmul.f32 $1.706666720e+02, v11;
	v0 =	vld [tilespmem:s29+$0x20];
	[tilespmem:s25+$0xFFFFFFF0] =	vst v2  }
0x48: {  	v7 =	vcvt.f32.s32 v7;
	v6 =	vmin.f32 v6, $1.023000000e+03;
	v10 =	vcvt.f32.s32 v10;
	v2 =	vld [tilespmem:s29+$0x10];
	[tilespmem:s25+$0xFFFFFFD0] =	vst v4  }
0x49: {  	v6 =	vtrunc.f32 v6;
	v11 =	vmax.f32 v11, $0.0e+00;
	v13 =	vcvt.f32.s32 v13;
	v4 =	vld [tilespmem:s29+$0x0];
	[tilespmem:s25+$0x0] =	vst v5;
	s25 =	smov.u32 s26  }
0x4a: {  	v9 =	vtrunc.f32 v9;
	v11 =	vmin.f32 v11, $1.023000000e+03;
	v3 =	vadd.f32 $3.000000000e+00, v3;
	v5 =	vld [tilespmem:s29+$0xFFFFFFF0]  }
0x4b: {  	v1 =	vadd.f32 $3.000000000e+00, v1;
	v15 =	vld.idx.msk [tilespmem:v8+s5+$0x0], $0xffff;
	v8 =	vtrunc.f32 v11;
	v11 =	vcvt.f32.s32 v9  }
0x4c: {  	v3 =	vmul.f32 $1.706666720e+02, v3;
	v16 =	vld [tilespmem:s29+$0xFFFFFFD0];
	v0 =	vadd.f32 $3.000000000e+00, v0;
	v17 =	vcvt.f32.s32 v8  }
0x4d: {  	v18 =	vcvt.f32.s32 v6;
	v2 =	vadd.f32 $3.000000000e+00, v2;
	v1 =	vmul.f32 $1.706666720e+02, v1;
	v19 =	vld.idx.msk [tilespmem:v12+s5+$0x0], $0xffff  }
0x4e: {  	v6 =	vmax.f32 v3, $0.0e+00;
	v4 =	vadd.f32 $3.000000000e+00, v4;
	v0 =	vmul.f32 $1.706666720e+02, v0;
	v3 =	vld.idx.msk [tilespmem:v7+s5+$0x0], $0xffff  }
.Ltmp2:
0x4f: {  	v5 =	vadd.f32 $3.000000000e+00, v5;
	v2 =	vmul.f32 $1.706666720e+02, v2;
	v7 =	vmax.f32 v1, $0.0e+00;
	v1 =	vld.idx.msk [tilespmem:v10+s5+$0x0], $0xffff;
	(pc) =	sbr.rel @p1 .LBB2_3-.Ltmp2, $4  }
0x50: {  	v8 =	vmin.f32 v6, $1.023000000e+03;
	v6 =	vadd.f32 $3.000000000e+00, v14;
	v10 =	vmax.f32 v0, $0.0e+00;
	v0 =	vld.idx.msk [tilespmem:v13+s5+$0x0], $0xffff  }
0x51: {  	v7 =	vmin.f32 v7, $1.023000000e+03;
	v9 =	vmul.f32 $1.706666720e+02, v5;
	v5 =	vmax.f32 v2, $0.0e+00;
	[tilespmem:s26+$0xFFFFFFC0] =	vst v15;
	v2 =	vld.idx.msk [tilespmem:v11+s5+$0x0], $0xffff  }
0x52: {  	v13 =	vmul.f32 $1.706666720e+02, v6;
	v6 =	vmul.f32 $1.706666720e+02, v4;
	v12 =	vmin.f32 v5, $1.023000000e+03;
	v4 =	vld.idx.msk [tilespmem:v17+s5+$0x0], $0xffff  }
0x53: {  	s29 =	sadd.s32 $0x80, s29;
	v11 =	vadd.f32 $3.000000000e+00, v16;
	v10 =	vmin.f32 v10, $1.023000000e+03;
	v7 =	vtrunc.f32 v7;
	v5 =	vld.idx.msk [tilespmem:v18+s5+$0x0], $0xffff;
	[tilespmem:s26+$0x10] =	vst v19  }
0x54: {  	v8 =	vtrunc.f32 v8;
	v13 =	vmax.f32 v13, $0.0e+00;
	v12 =	vtrunc.f32 v12  }
0x55: {  	v9 =	vmax.f32 v9, $0.0e+00;
	v10 =	vtrunc.f32 v10;
	v7 =	vcvt.f32.s32 v7  }
0x56: {  	v6 =	vmax.f32 v6, $0.0e+00;
	v8 =	vcvt.f32.s32 v8;
	v13 =	vmin.f32 v13, $1.023000000e+03  }
0x57: {  	v12 =	vcvt.f32.s32 v12;
	v11 =	vmul.f32 $1.706666720e+02, v11;
	v9 =	vmin.f32 v9, $1.023000000e+03  }
0x58: {  	v10 =	vcvt.f32.s32 v10;
	v54 =	vmin.f32 v6, $1.023000000e+03;
	v13 =	vtrunc.f32 v13  }
0x59: {  	v9 =	vtrunc.f32 v9;
	v11 =	vmax.f32 v11, $0.0e+00;
	v13 =	vcvt.f32.s32 v13  }
0x5a: {  	[tilespmem:s25+$0x30] =	vst v3;
	v56 =	vtrunc.f32 v54;
	v9 =	vcvt.f32.s32 v9;
	v11 =	vmin.f32 v11, $1.023000000e+03  }
0x5b: {  	[tilespmem:s25+$0x20] =	vst v1;
	v58 =	vcvt.f32.s32 v56;
	v55 =	vtrunc.f32 v11;
	v60 =	vld.idx.msk [tilespmem:v7+s5+$0x0], $0xffff  }
0x5c: {  	[tilespmem:s25+$0xFFFFFFE0] =	vst v0;
	v6 =	vcvt.f32.s32 v55;
	v57 =	vld.idx.msk [tilespmem:v8+s5+$0x0], $0xffff  }
0x5d: {  	[tilespmem:s25+$0xFFFFFFF0] =	vst v2;
	v59 =	vld.idx.msk [tilespmem:v12+s5+$0x0], $0xffff  }
0x5e: {  	[tilespmem:s25+$0xFFFFFFD0] =	vst v4;
	v61 =	vld.idx.msk [tilespmem:v10+s5+$0x0], $0xffff  }
0x5f: {  	s26 =	sadd.s32 $0x80, s26;
	[tilespmem:s25+$0x0] =	vst v5;
	v62 =	vld.idx.msk [tilespmem:v13+s5+$0x0], $0xffff  }
0x60: {  	v63 =	vld.idx.msk [tilespmem:v9+s5+$0x0], $0xffff;
	[tilespmem:s26+$0x30] =	vst v60  }
0x61: {  	v0 =	vld.idx.msk [tilespmem:v58+s5+$0x0], $0xffff;
	[tilespmem:s26+$0xFFFFFFC0] =	vst v57  }
0x62: {  	v6 =	vld.idx.msk [tilespmem:v6+s5+$0x0], $0xffff;
	[tilespmem:s26+$0x10] =	vst v59  }
0x63: {  	p1 =	sne.s32 s22, $0xF;
	[tilespmem:s26+$0x20] =	vst v61  }
.Ltmp3:
0x64: {  	[tilespmem:s26+$0xFFFFFFE0] =	vst v62;
	(pc) =	sbr.rel @p1 .LBB2_6-.Ltmp3, $4  }
0x65: {  	[tilespmem:s26+$0xFFFFFFF0] =	vst v63  }
0x66: {  	s24 =	sshrl.u32 s24, $0x3;
	[tilespmem:s26+$0x0] =	vst v0  }
0x67: {  	s31 =	sadd.s32 s4, s24;
	[tilespmem:s26+$0xFFFFFFD0] =	vst v6  }
0x68: {  	[hbm4b:s31+s5] =	stream.linear.scatter [tilespmem:s16], [sflag:$0x3], $0x4000, $0x38;
	[tilespmem:$0x10400] =	vst v63  }
.Ltmp4:
0x69: {  	(pc) =	sbr.rel .LBB2_7-.Ltmp4, $4  }
0x6a: {  	_ = 	snop  }
0x6b: {  	_ =	swait.ge [sflag:s17], $0x4000  }
0x6c: {  	[sflag:s17] =	ssyncset.done $0x0  }
0x6d: {  	[sflag:s17] =	ssyncadd.s32 $0xFFFFC000  }
.LBB2_6:
0x6e: {  	s25 =	sadd.s32 s23, s9  }
0x6f: {  	s25 =	sshrl.u32 s25, $0x3  }
.Ltmp5:
0x70: {  	s25 =	sadd.s32 s1, s25;
	(pc) =	sbr.rel @p0 .LBB2_8-.Ltmp5, $4  }
0x71: {  	[tilespmem:s12], [sflag:$0x1] =	stream.linear.gather [hbm4b:s25+s5], $0x4000, $0x38;
	[tilespmem:$0x10400] =	vst v63  }
0x72: {  	_ =	swait.ge [sflag:s17], $0x4000  }
0x73: {  	[sflag:s17] =	ssyncset.done $0x0  }
0x74: {  	[sflag:s17] =	ssyncadd.s32 $0xFFFFC000  }
.LBB2_7:
0x75: {  	_ =	swait.ge [sflag:s18], $0x4000  }
0x76: {  	[sflag:s18] =	ssyncset.done $0x0  }
0x77: {  	[sflag:s18] =	ssyncadd.s32 $0xFFFFC000  }
.LBB2_8:
0x78: {  	s26 =	simm.s32 $0x0  }
0x79: {  	v0 =	vld [tilespmem:s26+$0x4430]  }
0x7a: {  	v1 =	vld [tilespmem:s26+$0x4440]  }
0x7b: {  	v2 =	vld [tilespmem:s26+$0x4470]  }
0x7c: {  	v3 =	vld [tilespmem:s26+$0x4410]  }
0x7d: {  	v4 =	vld [tilespmem:s26+$0x4450]  }
0x7e: {  	v5 =	vld [tilespmem:s26+$0x4460]  }
0x7f: {  	v6 =	vld [tilespmem:s26+$0x4400]  }
0x80: {  	s25 =	simm.s32 $0x80;
	v7 =	vld [tilespmem:s26+$0x4420]  }
0x81: {  	v9 =	vld [tilespmem:s25+$0x4430];
	v0 =	vadd.f32 $3.000000000e+00, v0  }
0x82: {  	v10 =	vld [tilespmem:s25+$0x4440];
	v2 =	vadd.f32 $3.000000000e+00, v2;
	v1 =	vadd.f32 $3.000000000e+00, v1  }
0x83: {  	v8 =	vld [tilespmem:s25+$0x4450];
	v3 =	vadd.f32 $3.000000000e+00, v3;
	v4 =	vadd.f32 $3.000000000e+00, v4  }
0x84: {  	v5 =	vadd.f32 $3.000000000e+00, v5;
	v6 =	vadd.f32 $3.000000000e+00, v6  }
0x85: {  	v7 =	vadd.f32 $3.000000000e+00, v7;
	v0 =	vmul.f32 $1.706666720e+02, v0;
	v2 =	vmul.f32 $1.706666720e+02, v2  }
0x86: {  	v9 =	vadd.f32 $3.000000000e+00, v9;
	v1 =	vmul.f32 $1.706666720e+02, v1;
	v4 =	vmul.f32 $1.706666720e+02, v4  }
0x87: {  	v10 =	vadd.f32 $3.000000000e+00, v10;
	v3 =	vmul.f32 $1.706666720e+02, v3;
	v5 =	vmul.f32 $1.706666720e+02, v5  }
0x88: {  	v8 =	vadd.f32 $3.000000000e+00, v8;
	v6 =	vmul.f32 $1.706666720e+02, v6;
	v9 =	vmul.f32 $1.706666720e+02, v9  }
0x89: {  	v7 =	vmul.f32 $1.706666720e+02, v7;
	v10 =	vmul.f32 $1.706666720e+02, v10  }
0x8a: {  	v8 =	vmul.f32 $1.706666720e+02, v8;
	v0 =	vmax.f32 v0, $0.0e+00;
	v2 =	vmax.f32 v2, $0.0e+00  }
0x8b: {  	v1 =	vmax.f32 v1, $0.0e+00;
	v4 =	vmax.f32 v4, $0.0e+00;
	v3 =	vmax.f32 v3, $0.0e+00  }
0x8c: {  	v11 =	vld [tilespmem:s25+$0x4410];
	v5 =	vmax.f32 v5, $0.0e+00;
	v6 =	vmax.f32 v6, $0.0e+00;
	v0 =	vmin.f32 v0, $1.023000000e+03  }
0x8d: {  	v12 =	vld [tilespmem:s25+$0x4460];
	v9 =	vmax.f32 v9, $0.0e+00;
	v10 =	vmax.f32 v10, $0.0e+00;
	v0 =	vtrunc.f32 v0  }
0x8e: {  	v13 =	vld [tilespmem:s25+$0x4470];
	v8 =	vmax.f32 v8, $0.0e+00;
	v2 =	vmin.f32 v2, $1.023000000e+03;
	v0 =	vcvt.f32.s32 v0  }
0x8f: {  	s28 =	simm.s32 $0x100;
	v14 =	vld [tilespmem:s25+$0x4400];
	v1 =	vmin.f32 v1, $1.023000000e+03;
	v4 =	vmin.f32 v4, $1.023000000e+03;
	v2 =	vtrunc.f32 v2  }
0x90: {  	v17 =	vld [tilespmem:s28+$0x4440];
	v3 =	vmin.f32 v3, $1.023000000e+03;
	v1 =	vtrunc.f32 v1;
	v2 =	vcvt.f32.s32 v2  }
0x91: {  	v18 =	vld [tilespmem:s28+$0x4430];
	v6 =	vmin.f32 v6, $1.023000000e+03;
	v3 =	vtrunc.f32 v3;
	v1 =	vcvt.f32.s32 v1  }
0x92: {  	v19 =	vld [tilespmem:s28+$0x4460];
	v5 =	vmin.f32 v5, $1.023000000e+03;
	v4 =	vtrunc.f32 v4;
	v3 =	vcvt.f32.s32 v3  }
0x93: {  	v21 =	vld [tilespmem:s28+$0x4470];
	v8 =	vmin.f32 v8, $1.023000000e+03;
	v5 =	vtrunc.f32 v5;
	v4 =	vcvt.f32.s32 v4  }
0x94: {  	v6 =	vtrunc.f32 v6;
	v20 =	vcvt.f32.s32 v5;
	v15 =	vld.idx.msk [tilespmem:v0+s5+$0x0], $0xffff;
	v0 =	vadd.f32 $3.000000000e+00, v11  }
0x95: {  	v5 =	vmin.f32 v10, $1.023000000e+03;
	v10 =	vld [tilespmem:s28+$0x4410];
	v11 =	vadd.f32 $3.000000000e+00, v12;
	v12 =	vadd.f32 $3.000000000e+00, v13  }
0x96: {  	v7 =	vmax.f32 v7, $0.0e+00;
	v8 =	vtrunc.f32 v8;
	v6 =	vcvt.f32.s32 v6;
	v2 =	vld.idx.msk [tilespmem:v2+s5+$0x0], $0xffff  }
0x97: {  	v9 =	vmin.f32 v9, $1.023000000e+03;
	v23 =	vcvt.f32.s32 v8;
	v16 =	vld.idx.msk [tilespmem:v1+s5+$0x0], $0xffff;
	v12 =	vmul.f32 $1.706666720e+02, v12  }
0x98: {  	v5 =	vtrunc.f32 v5;
	v1 =	vtrunc.f32 v9;
	v9 =	vld.idx.msk [tilespmem:v3+s5+$0x0], $0xffff;
	v3 =	vmin.f32 v7, $1.023000000e+03  }
0x99: {  	v4 =	vld.idx.msk [tilespmem:v4+s5+$0x0], $0xffff;
	v1 =	vcvt.f32.s32 v1;
	v3 =	vtrunc.f32 v3;
	v12 =	vmax.f32 v12, $0.0e+00  }
0x9a: {  	v13 =	vld [tilespmem:s25+$0x4420];
	v0 =	vmul.f32 $1.706666720e+02, v0;
	v22 =	vcvt.f32.s32 v3;
	v12 =	vmin.f32 v12, $1.023000000e+03  }
0x9b: {  	v7 =	vld [tilespmem:s28+$0x4450];
	v8 =	vmul.f32 $1.706666720e+02, v11;
	v12 =	vtrunc.f32 v12  }
0x9c: {  	v24 =	vld.idx.msk [tilespmem:v6+s5+$0x0], $0xffff;
	v3 =	vadd.f32 $3.000000000e+00, v14;
	v0 =	vmax.f32 v0, $0.0e+00;
	v12 =	vcvt.f32.s32 v12  }
0x9d: {  	v25 =	vcvt.f32.s32 v5;
	v11 =	vmax.f32 v8, $0.0e+00;
	v14 =	vmin.f32 v0, $1.023000000e+03;
	v0 =	vld [tilespmem:s28+$0x4400];
	[tilespmem:s26+$0xC430] =	vst v15  }
0x9e: {  	v15 =	vmul.f32 $1.706666720e+02, v3;
	[tilespmem:s26+$0xC450] =	vst v4;
	v3 =	vld.idx.msk [tilespmem:v20+s5+$0x0], $0xffff;
	v4 =	vadd.f32 $3.000000000e+00, v10;
	v6 =	vtrunc.f32 v14  }
0x9f: {  	v13 =	vadd.f32 $3.000000000e+00, v13;
	v14 =	vadd.f32 $3.000000000e+00, v18;
	v18 =	vld.idx.msk [tilespmem:v1+s5+$0x0], $0xffff;
	v5 =	vcvt.f32.s32 v6  }
0xa0: {  	v10 =	vadd.f32 $3.000000000e+00, v7;
	[tilespmem:s26+$0xC410] =	vst v9;
	v7 =	vmax.f32 v15, $0.0e+00;
	v9 =	vmul.f32 $1.706666720e+02, v4;
	v4 =	vld [tilespmem:s28+$0x4420]  }
0xa1: {  	[tilespmem:s26+$0xC440] =	vst v16;
	v16 =	vmul.f32 $1.706666720e+02, v13;
	v13 =	vadd.f32 $3.000000000e+00, v21;
	v6 =	vmul.f32 $1.706666720e+02, v14;
	v8 =	vld.idx.msk [tilespmem:v22+s5+$0x0], $0xffff  }
0xa2: {  	v17 =	vadd.f32 $3.000000000e+00, v17;
	[tilespmem:s26+$0xC470] =	vst v2;
	v2 =	vadd.f32 $3.000000000e+00, v19;
	v7 =	vmin.f32 v7, $1.023000000e+03;
	v1 =	vld.idx.msk [tilespmem:v12+s5+$0x0], $0xffff  }
0xa3: {  	[tilespmem:s26+$0xC400] =	vst v24;
	v13 =	vmul.f32 $1.706666720e+02, v13;
	v14 =	vtrunc.f32 v7;
	v12 =	vmax.f32 v6, $0.0e+00;
	v6 =	vld.idx.msk [tilespmem:v23+s5+$0x0], $0xffff  }
0xa4: {  	s29 =	simm.s32 $0x10;
	s30 =	simm.s32 $0x600;
	v16 =	vmax.f32 v16, $0.0e+00;
	v7 =	vld.idx.msk [tilespmem:v25+s5+$0x0], $0xffff;
	[tilespmem:s25+$0xC430] =	vst v18;
	v15 =	vmin.f32 v12, $1.023000000e+03;
	v12 =	vmul.f32 $1.706666720e+02, v17  }
.LBB2_9:
0xa5: {  	s31 =	sshra.s32 s30, $0x2;
	s29 =	sadd.s32 $0x8, s29;
	v15 =	vtrunc.f32 v15;
	v5 =	vld.idx.msk [tilespmem:v5+s5+$0x0], $0xffff;
	v16 =	vmin.f32 v16, $1.023000000e+03;
	v11 =	vmin.f32 v11, $1.023000000e+03  }
0xa6: {  	v14 =	vcvt.f32.s32 v14;
	v17 =	vld [tilespmem:s31+$0x4450];
	p0 =	slt.u32 s29, $0x3F8;
	v15 =	vcvt.f32.s32 v15;
	v13 =	vmax.f32 v13, $0.0e+00;
	[tilespmem:s26+$0xC460] =	vst v3  }
0xa7: {  	v10 =	vmul.f32 $1.706666720e+02, v10;
	v16 =	vtrunc.f32 v16;
	v3 =	vld [tilespmem:s31+$0x4440];
	v13 =	vmin.f32 v13, $1.023000000e+03;
	[tilespmem:s26+$0xC420] =	vst v8;
	s26 =	smov.u32 s25;
	s25 =	smov.u32 s28;
	s28 =	smov.u32 s31  }
0xa8: {  	v12 =	vmax.f32 v12, $0.0e+00;
	v8 =	vld [tilespmem:s28+$0x4430];
	v13 =	vtrunc.f32 v13;
	[tilespmem:s26+$0xC450] =	vst v6;
	v6 =	vtrunc.f32 v11  }
0xa9: {  	v10 =	vmax.f32 v10, $0.0e+00;
	v18 =	vld [tilespmem:s28+$0x4460];
	v13 =	vcvt.f32.s32 v13;
	v6 =	vcvt.f32.s32 v6;
	[tilespmem:s26+$0xC470] =	vst v1  }
0xaa: {  	v10 =	vmin.f32 v10, $1.023000000e+03;
	v1 =	vmin.f32 v12, $1.023000000e+03;
	v12 =	vcvt.f32.s32 v16;
	v19 =	vld [tilespmem:s28+$0x4470];
	[tilespmem:s26+$0xC440] =	vst v7  }
0xab: {  	v11 =	vadd.f32 $3.000000000e+00, v0;
	v0 =	vmax.f32 v9, $0.0e+00;
	v9 =	vtrunc.f32 v10;
	v7 =	vld [tilespmem:s28+$0x4410];
	[tilespmem:s26+$0xC410] =	vst v5  }
0xac: {  	v2 =	vmul.f32 $1.706666720e+02, v2;
	v9 =	vcvt.f32.s32 v9;
	v5 =	vmin.f32 v0, $1.023000000e+03;
	v14 =	vld.idx.msk [tilespmem:v14+s5+$0x0], $0xffff  }
0xad: {  	v4 =	vadd.f32 $3.000000000e+00, v4;
	v1 =	vtrunc.f32 v1;
	v5 =	vtrunc.f32 v5;
	v0 =	vld [tilespmem:s28+$0x4400]  }
0xae: {  	v16 =	vmul.f32 $1.706666720e+02, v11;
	v21 =	vcvt.f32.s32 v1;
	v8 =	vadd.f32 $3.000000000e+00, v8;
	v20 =	vld.idx.msk [tilespmem:v15+s5+$0x0], $0xffff  }
0xaf: {  	v11 =	vmax.f32 v2, $0.0e+00;
	v22 =	vadd.f32 $3.000000000e+00, v3;
	v5 =	vcvt.f32.s32 v5;
	v3 =	vld.idx.msk [tilespmem:v6+s5+$0x0], $0xffff  }
.Ltmp6:
0xb0: {  	v10 =	vadd.f32 $3.000000000e+00, v17;
	v6 =	vmul.f32 $1.706666720e+02, v8;
	v7 =	vadd.f32 $3.000000000e+00, v7;
	v1 =	vld.idx.msk [tilespmem:v13+s5+$0x0], $0xffff;
	(pc) =	sbr.rel @p0 .LBB2_9-.Ltmp6, $4  }
0xb1: {  	v2 =	vadd.f32 $3.000000000e+00, v18;
	v13 =	vmax.f32 v16, $0.0e+00;
	v16 =	vmul.f32 $1.706666720e+02, v4;
	v8 =	vld.idx.msk [tilespmem:v12+s5+$0x0], $0xffff  }
0xb2: {  	v17 =	vadd.f32 $3.000000000e+00, v19;
	v12 =	vmax.f32 v6, $0.0e+00;
	v18 =	vmin.f32 v13, $1.023000000e+03;
	v6 =	vld.idx.msk [tilespmem:v9+s5+$0x0], $0xffff;
	[tilespmem:s26+$0xC400] =	vst v14  }
0xb3: {  	v9 =	vmul.f32 $1.706666720e+02, v7;
	v15 =	vmin.f32 v12, $1.023000000e+03;
	v12 =	vmul.f32 $1.706666720e+02, v22;
	v4 =	vld [tilespmem:s28+$0x4420]  }
0xb4: {  	s30 =	sadd.s32 $0x200, s30;
	v13 =	vmul.f32 $1.706666720e+02, v17;
	v14 =	vtrunc.f32 v18;
	v16 =	vmax.f32 v16, $0.0e+00;
	[tilespmem:s25+$0xC430] =	vst v20;
	v7 =	vld.idx.msk [tilespmem:v21+s5+$0x0], $0xffff  }
0xb5: {  	v15 =	vtrunc.f32 v15  }
0xb6: {  	v16 =	vmin.f32 v16, $1.023000000e+03;
	v11 =	vmin.f32 v11, $1.023000000e+03;
	v14 =	vcvt.f32.s32 v14  }
0xb7: {  	v10 =	vmul.f32 $1.706666720e+02, v10;
	v12 =	vmax.f32 v12, $0.0e+00;
	v0 =	vadd.f32 $3.000000000e+00, v0  }
0xb8: {  	v9 =	vmax.f32 v9, $0.0e+00;
	v2 =	vmul.f32 $1.706666720e+02, v2;
	v15 =	vcvt.f32.s32 v15  }
0xb9: {  	v13 =	vmax.f32 v13, $0.0e+00;
	v16 =	vtrunc.f32 v16;
	v11 =	vtrunc.f32 v11  }
0xba: {  	v12 =	vmin.f32 v12, $1.023000000e+03;
	v9 =	vmin.f32 v9, $1.023000000e+03;
	v11 =	vcvt.f32.s32 v11  }
0xbb: {  	v13 =	vmin.f32 v13, $1.023000000e+03;
	v16 =	vcvt.f32.s32 v16;
	v0 =	vmul.f32 $1.706666720e+02, v0  }
0xbc: {  	v10 =	vmax.f32 v10, $0.0e+00;
	v9 =	vtrunc.f32 v9;
	v12 =	vtrunc.f32 v12  }
0xbd: {  	v2 =	vmax.f32 v2, $0.0e+00;
	v13 =	vtrunc.f32 v13;
	v4 =	vadd.f32 $3.000000000e+00, v4  }
0xbe: {  	v10 =	vmin.f32 v10, $1.023000000e+03;
	v54 =	vcvt.f32.s32 v12;
	v9 =	vcvt.f32.s32 v9  }
0xbf: {  	v5 =	vld.idx.msk [tilespmem:v5+s5+$0x0], $0xffff;
	[tilespmem:s26+$0xC460] =	vst v3;
	v2 =	vmin.f32 v2, $1.023000000e+03;
	v13 =	vcvt.f32.s32 v13;
	v4 =	vmul.f32 $1.706666720e+02, v4  }
0xc0: {  	[tilespmem:s25+$0xC470] =	vst v1;
	v10 =	vtrunc.f32 v10;
	v0 =	vmax.f32 v0, $0.0e+00;
	v2 =	vtrunc.f32 v2;
	v55 =	vld.idx.msk [tilespmem:v14+s5+$0x0], $0xffff  }
0xc1: {  	[tilespmem:s26+$0xC420] =	vst v8;
	v10 =	vcvt.f32.s32 v10;
	v0 =	vmin.f32 v0, $1.023000000e+03;
	v56 =	vld.idx.msk [tilespmem:v15+s5+$0x0], $0xffff;
	v4 =	vmax.f32 v4, $0.0e+00  }
0xc2: {  	[tilespmem:s25+$0xC450] =	vst v6;
	v2 =	vcvt.f32.s32 v2;
	v0 =	vtrunc.f32 v0;
	v57 =	vld.idx.msk [tilespmem:v11+s5+$0x0], $0xffff;
	v4 =	vmin.f32 v4, $1.023000000e+03  }
0xc3: {  	[tilespmem:s25+$0xC440] =	vst v7;
	v0 =	vcvt.f32.s32 v0;
	v58 =	vld.idx.msk [tilespmem:v16+s5+$0x0], $0xffff;
	v4 =	vtrunc.f32 v4  }
0xc4: {  	[tilespmem:s25+$0xC410] =	vst v5;
	v3 =	vld.idx.msk [tilespmem:v54+s5+$0x0], $0xffff;
	v4 =	vcvt.f32.s32 v4  }
0xc5: {  	v61 =	vld.idx.msk [tilespmem:v9+s5+$0x0], $0xffff;
	[tilespmem:s25+$0xC400] =	vst v55  }
0xc6: {  	v60 =	vld.idx.msk [tilespmem:v13+s5+$0x0], $0xffff;
	[tilespmem:s28+$0xC430] =	vst v56  }
0xc7: {  	v59 =	vld.idx.msk [tilespmem:v10+s5+$0x0], $0xffff;
	[tilespmem:s25+$0xC460] =	vst v57  }
0xc8: {  	v62 =	vld.idx.msk [tilespmem:v2+s5+$0x0], $0xffff;
	[tilespmem:s25+$0xC420] =	vst v58  }
0xc9: {  	v0 =	vld.idx.msk [tilespmem:v0+s5+$0x0], $0xffff;
	[tilespmem:s28+$0xC440] =	vst v3  }
0xca: {  	[tilespmem:s28+$0xC410] =	vst v61;
	v63 =	vld.idx.msk [tilespmem:v4+s5+$0x0], $0xffff  }
0xcb: {  	p0 =	seq.s32 s22, $0xF;
	[tilespmem:s28+$0xC470] =	vst v60  }
.Ltmp7:
0xcc: {  	[tilespmem:s28+$0xC450] =	vst v59;
	(pc) =	sbr.rel @p0 .LBB2_12-.Ltmp7, $4  }
0xcd: {  	[tilespmem:s28+$0xC460] =	vst v62  }
0xce: {  	s24 =	sadd.s32 s24, s4;
	[tilespmem:s28+$0xC400] =	vst v0  }
0xcf: {  	s24 =	sadd.s32 $0x800, s24;
	[tilespmem:s28+$0xC420] =	vst v63  }
0xd0: {  	[hbm4b:s24+s5] =	stream.linear.scatter [tilespmem:s19], [sflag:$0x4], $0x4000, $0x38;
	[tilespmem:$0x10400] =	vst v63  }
.Ltmp8:
0xd1: {  	(pc) =	sbr.rel .LBB2_2-.Ltmp8, $4  }
0xd2: {  	s23 =	sadd.s32 s23, s10  }
0xd3: {  	s23 =	sshrl.u32 s23, $0x3  }
0xd4: {  	s22 =	sadd.s32 $0x1, s22;
	s23 =	sadd.s32 s1, s23  }
0xd5: {  	[tilespmem:s13], [sflag:$0x2] =	stream.linear.gather [hbm4b:s23+s5], $0x4000, $0x38;
	[tilespmem:$0x10400] =	vst v63  }
.LBB2_13:
0xd6: {  	_ =	sfence.sel $0x180000  }
0xd7: {  	[bflag:$0x0] =	sbarrier.arrive $0xFFFF  }
0xd8: {  	p0 =	sne.s32 s0, $0x0;
	_ =	strace $0x90000047  }
0xd9: {  	s0 =	sadd.s32 @!p0 $0x100000, s2;
	[bflag:$0x2] =	sbarrier.arrive $0xFFFF  }
0xda: {  	[sflag:s0] =	ssyncadd.tile.s32 @!p0 $0x1;
	_ =	shalt  }
.Lfunc_end2:
_tile_overlayer_lowered:
.L_overlay_start_2:
0xdb: {  	(tag) =	ssettag $0x2  }
0xdc: {  	s0 =	rddreg [dreg:$0x0];
	s2 =	stileid.u32  }
0xdd: {  	s1 =	rddreg [dreg:$0x1];
	p0 =	sne.s32 s2, $0x0  }
0xde: {  	s3 =	rddreg [dreg:$0x2];
	[bflag:$0x3] =	sbarrier.arrive $0xFFFF;
	s2 =	simm.s32 @!p0 $0x1C05  }
0xdf: {  	[timem:s3], [sflag:s2] =	dma.local @!p0 [hbm:s0], s1  }
0xe0: {  	s0 =	simm.s32 @!p0 $0x5  }
0xe1: {  	_ =	swait.ge @!p0 [sflag:s0], s1  }
0xe2: {  	s1 =	ssub.s32 @!p0 $0x0, s1;
	[sflag:s0] =	ssyncset.done @!p0 $0x0  }
0xe3: {  	[sflag:s0] =	ssyncadd.s32 @!p0 s1  }
0xe4: {  	[bflag:$0x3] =	sbarrier.arrive $0xFFFF  }
0xe5: {  	_ =	shalt  }

</sc_bundles>
